<compile_context>
chip_gen: v7x
topology: tpu7x:2x2x1
jax: 0.10.2.dev20260603
libtpu: 0.0.44.dev20260713+nightly
codegen_flags: <defaults>
</compile_context>

<pallas_src>
import functools

import jax
import jax.numpy as jnp
from jax import lax
from jax.experimental import pallas as pl
from jax.experimental.pallas import tpu as pltpu
from jax.experimental.pallas import tpu_sc as plsc

NC = 2
NS = 16
CW = 125
NBUF = 2


def _chunk_loop(nchunks, src_sh, acc_sh, sidx, didx, rows, sems):
    for b in range(NBUF):
        pltpu.async_copy(src_sh.at[sidx.at[b]], rows[b], sems[b])

    def outer(i2, carry):
        for b in range(NBUF):
            j = i2 * NBUF + b
            pltpu.make_async_copy(src_sh.at[sidx.at[j]], rows[b], sems[b]).wait()
            pltpu.sync_copy(rows[b], acc_sh.at[didx.at[j]], add=True)
            nj = j + NBUF

            @pl.when(nj < nchunks)
            def _():
                pltpu.async_copy(src_sh.at[sidx.at[nj]], rows[b], sems[b])
        return carry

    lax.fori_loop(0, nchunks // NBUF, outer, 0)


def _gcn_body(nchunks, rpt, fc, x_hbm, src_hbm, dst_hbm, zeros_hbm,
              a1_hbm, a2_hbm, sidx, didx, rows0, rows1, acc,
              sem0, sem1):
    c = lax.axis_index("c")
    s = lax.axis_index("s")
    row0 = s * rpt
    pltpu.sync_copy(zeros_hbm, acc.at[pl.ds(row0, rpt)])
    pltpu.sync_copy(src_hbm.at[s], sidx)
    pltpu.sync_copy(dst_hbm.at[s], didx)
    plsc.subcore_barrier()

    rows = (rows0, rows1)
    sems = (sem0, sem1)
    _chunk_loop(nchunks, x_hbm.at[c], acc, sidx, didx, rows, sems)
    plsc.subcore_barrier()
    pltpu.sync_copy(acc.at[pl.ds(row0, rpt)], a1_hbm.at[c, pl.ds(row0, rpt)])
    plsc.subcore_barrier()
    pltpu.sync_copy(zeros_hbm, acc.at[pl.ds(row0, rpt)])
    plsc.subcore_barrier()
    _chunk_loop(nchunks, a1_hbm.at[c], acc, sidx, didx, rows, sems)
    plsc.subcore_barrier()
    pltpu.sync_copy(acc.at[pl.ds(row0, rpt)], a2_hbm.at[c, pl.ds(row0, rpt)])


def _gcn_aggregate_sc(x_cols, src_r, dst_r, zeros_tile, n_pad):
    fc = x_cols.shape[2]
    nchunks = src_r.shape[1]
    rpt = n_pad // NS
    mesh = plsc.VectorSubcoreMesh(core_axis_name="c", subcore_axis_name="s")
    body = functools.partial(_gcn_body, nchunks, rpt, fc)
    acc_t = jax.ShapeDtypeStruct((NC, n_pad, fc), jnp.float32)
    return pl.kernel(
        body,
        out_type=(acc_t, acc_t),
        mesh=mesh,
        compiler_params=pltpu.CompilerParams(use_tc_tiling_on_sc=False),
        scratch_types=[
            pltpu.VMEM((nchunks, CW), jnp.int32),
            pltpu.VMEM((nchunks, CW), jnp.int32),
            pltpu.VMEM((CW, fc), jnp.float32),
            pltpu.VMEM((CW, fc), jnp.float32),
            pltpu.VMEM_SHARED((n_pad, fc), jnp.float32),
            pltpu.SemaphoreType.DMA,
            pltpu.SemaphoreType.DMA,
        ],
    )(x_cols, src_r, dst_r, zeros_tile)


def _final_body(scale, fc, h0_ref, a1_ref, a2_ref, w_ref, b_ref, o_ref):
    w = w_ref[...]
    a1 = a1_ref[...]
    a2 = a2_ref[...]
    acc = jnp.dot(h0_ref[...], w[0], preferred_element_type=jnp.float32)
    acc += scale * (jnp.dot(a1[0], w[1, :fc], preferred_element_type=jnp.float32)
                    + jnp.dot(a1[1], w[1, fc:], preferred_element_type=jnp.float32))
    acc += (scale * scale) * (
        jnp.dot(a2[0], w[2, :fc], preferred_element_type=jnp.float32)
        + jnp.dot(a2[1], w[2, fc:], preferred_element_type=jnp.float32))
    o_ref[...] = acc + b_ref[...]


def kernel(h, edge_index, weight, bias):
    n, f = h.shape
    e = edge_index.shape[1]
    k = weight.shape[2]
    fc = f // NC
    assert k == 3 and e % (NS * CW) == 0 and f % NC == 0
    scale = 1.0 / n
    nchunks = e // (NS * CW)
    n_pad = ((n + NS * 8 - 1) // (NS * 8)) * NS * 8
    src_r = edge_index[0].reshape(NS, nchunks, CW)
    dst_r = edge_index[1].reshape(NS, nchunks, CW)
    x_cols = jnp.transpose(h.reshape(n, NC, fc), (1, 0, 2))
    x_cols = jnp.concatenate(
        [x_cols, jnp.zeros((NC, n_pad - n, fc), jnp.float32)], axis=1)
    zeros_tile = jnp.zeros((n_pad // NS, fc), jnp.float32)
    wt = jnp.transpose(weight, (2, 0, 1))

    a1, a2 = _gcn_aggregate_sc(x_cols, src_r, dst_r, zeros_tile, n_pad)

    bn = 1000
    grid = n // bn
    out = pl.pallas_call(
        functools.partial(_final_body, scale, fc),
        out_shape=jax.ShapeDtypeStruct((n, f), jnp.float32),
        grid=(grid,),
        in_specs=[
            pl.BlockSpec((bn, f), lambda i: (i, 0)),
            pl.BlockSpec((NC, bn, fc), lambda i: (0, i, 0)),
            pl.BlockSpec((NC, bn, fc), lambda i: (0, i, 0)),
            pl.BlockSpec((k, f, f), lambda i: (0, 0, 0)),
            pl.BlockSpec((1, f), lambda i: (0, 0)),
        ],
        out_specs=pl.BlockSpec((bn, f), lambda i: (i, 0)),
    )(h, a1, a2, wt, bias.reshape(1, f))
    return out

# --- scband reference (transcript-rebuilt; emitter-appended) ---
"""Pipeline reference for scband-gcnlayer-23098334117924 (READ-ONLY COPY).

The authoritative reference and input builder live on the scoring server;
editing this copy changes nothing except your own understanding.
"""

import jax, jax.numpy as jnp
import numpy as np

N = 10000
E = 320000
IN_FEATS = 128
OUT_FEATS = 128
K = 3


def setup_inputs(seed: int = 0) -> dict:
    key = jax.random.key(seed)
    k1, k2, k3, k4 = jax.random.split(key, 4)
    h = jax.random.normal(k1, (N, IN_FEATS), dtype=jnp.float32)
    edge_index = jax.random.randint(k2, (2, E), 0, N, dtype=jnp.int32)
    stdv = 1.0 / (OUT_FEATS ** 0.5)
    weight = jax.random.uniform(k3, (IN_FEATS, OUT_FEATS, K), dtype=jnp.float32, minval=-stdv, maxval=stdv)
    bias = jax.random.uniform(k4, (OUT_FEATS,), dtype=jnp.float32, minval=-stdv, maxval=stdv)
    return {"h": h, "edge_index": edge_index, "weight": weight, "bias": bias}


def reference(h, edge_index, weight, bias):
    # dropout p=0.0 -> identity; no edge weights in g.edata -> copy_u/sum aggregation
    n = h.shape[0]
    scale = 1.0 / n
    src = edge_index[0]
    dst = edge_index[1]
    h_all = [h]
    cur = h
    for _ in range(1, K):
        # g.update_all(copy_u('h','m'), sum('m','h')): gather from src, scatter-add to dst
        agg = jax.ops.segment_sum(cur[src], dst, num_segments=n)
        cur = scale * agg
        h_all.append(cur)
    h_stack = jnp.stack(h_all)  # [K, n, in_feats]
    w = jnp.transpose(weight, (1, 0, 2))  # [out_feats, in_feats, K]
    h_out = jnp.einsum('kni,oik->no', h_stack, w)
    h_out = h_out + bias
    # activation is None -> identity
    return h_out

if __name__ == "__main__":
    import jax
    _d = setup_inputs()
    print(jax.jit(kernel)(*tuple(_d.values())))

</pallas_src>

<mosaic_0001>
#map = affine_map<(d0, d1) -> (0, 0, 0)>
#map1 = affine_map<(d0, d1) -> (0, 0)>
module attributes {stable_mosaic.version = 14 : i64} {
  func.func @_gcn_body(%arg0: i32, %arg1: i32, %arg2: memref<2x10112x64xf32, #tpu.memory_space<hbm>>, %arg3: memref<16x160x125xi32, #tpu.memory_space<hbm>>, %arg4: memref<16x160x125xi32, #tpu.memory_space<hbm>>, %arg5: memref<632x64xf32, #tpu.memory_space<hbm>>, %arg6: memref<2x10112x64xf32, #tpu.memory_space<hbm>>, %arg7: memref<2x10112x64xf32, #tpu.memory_space<hbm>>, %arg8: memref<160x125xi32, #tpu.memory_space<vmem>>, %arg9: memref<160x125xi32, #tpu.memory_space<vmem>>, %arg10: memref<125x64xf32, #tpu.memory_space<vmem>>, %arg11: memref<125x64xf32, #tpu.memory_space<vmem>>, %arg12: memref<10112x64xf32, #tpu.memory_space<vmem_shared>>, %arg13: memref<!tpu.dma_semaphore, #tpu.memory_space<semaphore_mem>>, %arg14: memref<!tpu.dma_semaphore, #tpu.memory_space<semaphore_mem>>) attributes {dimension_semantics = [#tpu.dimension_semantics<core_parallel>, #tpu.dimension_semantics<subcore_parallel>], iteration_bounds = array<i64: 2, 16>, scalar_prefetch = 0 : i64, scratch_operands = 7 : i64, tpu.core_type = #tpu.core_type<sc_vector_subcore>, window_params = [{transform_indices = #map}, {transform_indices = #map}, {transform_indices = #map}, {transform_indices = #map1}, {transform_indices = #map}, {transform_indices = #map}]} {
    %mul3A = arith.constant 632 : i32
    %mul3A_0 = arith.muli %arg1, %mul3A : i32
    "tpu.region"() ({
      %run_scoped3A = tpu.sem_alloc : memref<!tpu.dma_semaphore, #tpu.memory_space<semaphore_mem>>
      %dma_start3A_59 = arith.constant 0 : i32
      %dma_start3A_60 = tpu.memref_slice %arg12[%mul3A_0, %dma_start3A_59] : memref<10112x64xf32, #tpu.memory_space<vmem_shared>> -> memref<632x64xf32, #tpu.memory_space<vmem_shared>>
      tpu.enqueue_dma source(%arg5 : memref<632x64xf32, #tpu.memory_space<hbm>>) target(%dma_start3A_60 : memref<632x64xf32, #tpu.memory_space<vmem_shared>>) target_semaphore(%run_scoped3A : memref<!tpu.dma_semaphore, #tpu.memory_space<semaphore_mem>>)
      %dma_wait3A = arith.constant 0 : i32
      %dma_wait3A_61 = tpu.memref_slice %arg12[%mul3A_0, %dma_wait3A] : memref<10112x64xf32, #tpu.memory_space<vmem_shared>> -> memref<632x64xf32, #tpu.memory_space<vmem_shared>>
      tpu.wait_dma2 semaphore(%run_scoped3A : memref<!tpu.dma_semaphore, #tpu.memory_space<semaphore_mem>>) src(%arg5 : memref<632x64xf32, #tpu.memory_space<hbm>>) dst(%dma_wait3A_61 : memref<632x64xf32, #tpu.memory_space<vmem_shared>>)
      tpu.yield
    }) : () -> ()
    "tpu.region"() ({
      %run_scoped3A = tpu.sem_alloc : memref<!tpu.dma_semaphore, #tpu.memory_space<semaphore_mem>>
      %dma_start3A_59 = arith.constant 0 : i32
      %dma_start3A_60 = arith.constant 0 : i32
      %dma_start3A_61 = tpu.memref_slice %arg3[%arg1, %dma_start3A_59, %dma_start3A_60] : memref<16x160x125xi32, #tpu.memory_space<hbm>> -> memref<1x160x125xi32, #tpu.memory_space<hbm>>
      %dma_start3A_62 = tpu.memref_squeeze %dma_start3A_61 : memref<1x160x125xi32, #tpu.memory_space<hbm>> -> memref<160x125xi32, #tpu.memory_space<hbm>>
      %dma_start3A_63 = arith.constant 0 : i32
      %dma_start3A_64 = arith.constant 0 : i32
      %dma_start3A_65 = tpu.memref_slice %arg3[%arg1, %dma_start3A_63, %dma_start3A_64] : memref<16x160x125xi32, #tpu.memory_space<hbm>> -> memref<1x160x125xi32, #tpu.memory_space<hbm>>
      %dma_start3A_66 = tpu.memref_squeeze %dma_start3A_65 : memref<1x160x125xi32, #tpu.memory_space<hbm>> -> memref<160x125xi32, #tpu.memory_space<hbm>>
      tpu.enqueue_dma source(%dma_start3A_66 : memref<160x125xi32, #tpu.memory_space<hbm>>) target(%arg8 : memref<160x125xi32, #tpu.memory_space<vmem>>) target_semaphore(%run_scoped3A : memref<!tpu.dma_semaphore, #tpu.memory_space<semaphore_mem>>)
      %dma_wait3A = arith.constant 0 : i32
      %dma_wait3A_67 = arith.constant 0 : i32
      %dma_wait3A_68 = tpu.memref_slice %arg3[%arg1, %dma_wait3A, %dma_wait3A_67] : memref<16x160x125xi32, #tpu.memory_space<hbm>> -> memref<1x160x125xi32, #tpu.memory_space<hbm>>
      %dma_wait3A_69 = tpu.memref_squeeze %dma_wait3A_68 : memref<1x160x125xi32, #tpu.memory_space<hbm>> -> memref<160x125xi32, #tpu.memory_space<hbm>>
      %dma_wait3A_70 = arith.constant 0 : i32
      %dma_wait3A_71 = arith.constant 0 : i32
      %dma_wait3A_72 = tpu.memref_slice %arg3[%arg1, %dma_wait3A_70, %dma_wait3A_71] : memref<16x160x125xi32, #tpu.memory_space<hbm>> -> memref<1x160x125xi32, #tpu.memory_space<hbm>>
      %dma_wait3A_73 = tpu.memref_squeeze %dma_wait3A_72 : memref<1x160x125xi32, #tpu.memory_space<hbm>> -> memref<160x125xi32, #tpu.memory_space<hbm>>
      tpu.wait_dma2 semaphore(%run_scoped3A : memref<!tpu.dma_semaphore, #tpu.memory_space<semaphore_mem>>) src(%dma_wait3A_73 : memref<160x125xi32, #tpu.memory_space<hbm>>) dst(%arg8 : memref<160x125xi32, #tpu.memory_space<vmem>>)
      tpu.yield
    }) : () -> ()
    "tpu.region"() ({
      %run_scoped3A = tpu.sem_alloc : memref<!tpu.dma_semaphore, #tpu.memory_space<semaphore_mem>>
      %dma_start3A_59 = arith.constant 0 : i32
      %dma_start3A_60 = arith.constant 0 : i32
      %dma_start3A_61 = tpu.memref_slice %arg4[%arg1, %dma_start3A_59, %dma_start3A_60] : memref<16x160x125xi32, #tpu.memory_space<hbm>> -> memref<1x160x125xi32, #tpu.memory_space<hbm>>
      %dma_start3A_62 = tpu.memref_squeeze %dma_start3A_61 : memref<1x160x125xi32, #tpu.memory_space<hbm>> -> memref<160x125xi32, #tpu.memory_space<hbm>>
      %dma_start3A_63 = arith.constant 0 : i32
      %dma_start3A_64 = arith.constant 0 : i32
      %dma_start3A_65 = tpu.memref_slice %arg4[%arg1, %dma_start3A_63, %dma_start3A_64] : memref<16x160x125xi32, #tpu.memory_space<hbm>> -> memref<1x160x125xi32, #tpu.memory_space<hbm>>
      %dma_start3A_66 = tpu.memref_squeeze %dma_start3A_65 : memref<1x160x125xi32, #tpu.memory_space<hbm>> -> memref<160x125xi32, #tpu.memory_space<hbm>>
      tpu.enqueue_dma source(%dma_start3A_66 : memref<160x125xi32, #tpu.memory_space<hbm>>) target(%arg9 : memref<160x125xi32, #tpu.memory_space<vmem>>) target_semaphore(%run_scoped3A : memref<!tpu.dma_semaphore, #tpu.memory_space<semaphore_mem>>)
      %dma_wait3A = arith.constant 0 : i32
      %dma_wait3A_67 = arith.constant 0 : i32
      %dma_wait3A_68 = tpu.memref_slice %arg4[%arg1, %dma_wait3A, %dma_wait3A_67] : memref<16x160x125xi32, #tpu.memory_space<hbm>> -> memref<1x160x125xi32, #tpu.memory_space<hbm>>
      %dma_wait3A_69 = tpu.memref_squeeze %dma_wait3A_68 : memref<1x160x125xi32, #tpu.memory_space<hbm>> -> memref<160x125xi32, #tpu.memory_space<hbm>>
      %dma_wait3A_70 = arith.constant 0 : i32
      %dma_wait3A_71 = arith.constant 0 : i32
      %dma_wait3A_72 = tpu.memref_slice %arg4[%arg1, %dma_wait3A_70, %dma_wait3A_71] : memref<16x160x125xi32, #tpu.memory_space<hbm>> -> memref<1x160x125xi32, #tpu.memory_space<hbm>>
      %dma_wait3A_73 = tpu.memref_squeeze %dma_wait3A_72 : memref<1x160x125xi32, #tpu.memory_space<hbm>> -> memref<160x125xi32, #tpu.memory_space<hbm>>
      tpu.wait_dma2 semaphore(%run_scoped3A : memref<!tpu.dma_semaphore, #tpu.memory_space<semaphore_mem>>) src(%dma_wait3A_73 : memref<160x125xi32, #tpu.memory_space<hbm>>) dst(%arg9 : memref<160x125xi32, #tpu.memory_space<vmem>>)
      tpu.yield
    }) : () -> ()
    %barrier3A = arith.constant 0 : index
    tpu.barrier barrier_id(%barrier3A)
    %dma_start3A = arith.constant 0 : i32
    %dma_start3A_1 = arith.constant 0 : i32
    %dma_start3A_2 = tpu.memref_slice %arg8[%dma_start3A, %dma_start3A_1] : memref<160x125xi32, #tpu.memory_space<vmem>> -> memref<1x125xi32, #tpu.memory_space<vmem>>
    %dma_start3A_3 = tpu.memref_squeeze %dma_start3A_2 : memref<1x125xi32, #tpu.memory_space<vmem>> -> memref<125xi32, #tpu.memory_space<vmem>>
    %dma_start3A_4 = arith.constant 0 : i32
    %dma_start3A_5 = arith.constant 0 : i32
    %dma_start3A_6 = tpu.memref_slice %arg2[%arg0, %dma_start3A_4, %dma_start3A_5] : memref<2x10112x64xf32, #tpu.memory_space<hbm>> -> memref<1x10112x64xf32, #tpu.memory_space<hbm>>
    %dma_start3A_7 = tpu.memref_squeeze %dma_start3A_6 : memref<1x10112x64xf32, #tpu.memory_space<hbm>> -> memref<10112x64xf32, #tpu.memory_space<hbm>>
    %dma_start3A_8 = arith.constant 0 : i32
    %dma_start3A_9 = arith.constant 0 : i32
    %dma_start3A_10 = tpu.memref_slice %dma_start3A_7[%dma_start3A_8, %dma_start3A_9] : memref<10112x64xf32, #tpu.memory_space<hbm>> -> memref<10112x64xf32, #tpu.memory_space<hbm>>
    tpu.enqueue_indirect_dma source(%dma_start3A_10 : memref<10112x64xf32, #tpu.memory_space<hbm>>) target(%arg10 : memref<125x64xf32, #tpu.memory_space<vmem>>) offsets(%dma_start3A_3 : memref<125xi32, #tpu.memory_space<vmem>>) semaphore(%arg13 : memref<!tpu.dma_semaphore, #tpu.memory_space<semaphore_mem>>)
    %dma_start3A_11 = arith.constant 1 : i32
    %dma_start3A_12 = arith.constant 0 : i32
    %dma_start3A_13 = tpu.memref_slice %arg8[%dma_start3A_11, %dma_start3A_12] : memref<160x125xi32, #tpu.memory_space<vmem>> -> memref<1x125xi32, #tpu.memory_space<vmem>>
    %dma_start3A_14 = tpu.memref_squeeze %dma_start3A_13 : memref<1x125xi32, #tpu.memory_space<vmem>> -> memref<125xi32, #tpu.memory_space<vmem>>
    %dma_start3A_15 = arith.constant 0 : i32
    %dma_start3A_16 = arith.constant 0 : i32
    %dma_start3A_17 = tpu.memref_slice %arg2[%arg0, %dma_start3A_15, %dma_start3A_16] : memref<2x10112x64xf32, #tpu.memory_space<hbm>> -> memref<1x10112x64xf32, #tpu.memory_space<hbm>>
    %dma_start3A_18 = tpu.memref_squeeze %dma_start3A_17 : memref<1x10112x64xf32, #tpu.memory_space<hbm>> -> memref<10112x64xf32, #tpu.memory_space<hbm>>
    %dma_start3A_19 = arith.constant 0 : i32
    %dma_start3A_20 = arith.constant 0 : i32
    %dma_start3A_21 = tpu.memref_slice %dma_start3A_18[%dma_start3A_19, %dma_start3A_20] : memref<10112x64xf32, #tpu.memory_space<hbm>> -> memref<10112x64xf32, #tpu.memory_space<hbm>>
    tpu.enqueue_indirect_dma source(%dma_start3A_21 : memref<10112x64xf32, #tpu.memory_space<hbm>>) target(%arg11 : memref<125x64xf32, #tpu.memory_space<vmem>>) offsets(%dma_start3A_14 : memref<125xi32, #tpu.memory_space<vmem>>) semaphore(%arg14 : memref<!tpu.dma_semaphore, #tpu.memory_space<semaphore_mem>>)
    %scan3A = arith.constant 0 : i32
    %scan3A_22 = arith.constant 0 : i32
    %scan3A_23 = arith.constant 80 : i32
    %scan3A_24 = arith.addi %scan3A_22, %scan3A_23 : i32
    %scan3A_25 = arith.constant 1 : i32
    scf.for %scan3A_59 = %scan3A_22 to %scan3A_24 step %scan3A_25  : i32 {
      %mul3A_60 = arith.constant 2 : i32
      %mul3A_61 = arith.muli %scan3A_59, %mul3A_60 : i32
      %add3A = arith.constant 0 : i32
      %add3A_62 = arith.addi %mul3A_61, %add3A : i32
      %dma_wait3A = arith.constant 0 : i32
      %dma_wait3A_63 = tpu.memref_slice %arg8[%add3A_62, %dma_wait3A] : memref<160x125xi32, #tpu.memory_space<vmem>> -> memref<1x125xi32, #tpu.memory_space<vmem>>
      %dma_wait3A_64 = tpu.memref_squeeze %dma_wait3A_63 : memref<1x125xi32, #tpu.memory_space<vmem>> -> memref<125xi32, #tpu.memory_space<vmem>>
      %dma_wait3A_65 = arith.constant 0 : i32
      %dma_wait3A_66 = arith.constant 0 : i32
      %dma_wait3A_67 = tpu.memref_slice %arg2[%arg0, %dma_wait3A_65, %dma_wait3A_66] : memref<2x10112x64xf32, #tpu.memory_space<hbm>> -> memref<1x10112x64xf32, #tpu.memory_space<hbm>>
      %dma_wait3A_68 = tpu.memref_squeeze %dma_wait3A_67 : memref<1x10112x64xf32, #tpu.memory_space<hbm>> -> memref<10112x64xf32, #tpu.memory_space<hbm>>
      %dma_wait3A_69 = arith.constant 0 : i32
      %dma_wait3A_70 = arith.constant 0 : i32
      %dma_wait3A_71 = tpu.memref_slice %dma_wait3A_68[%dma_wait3A_69, %dma_wait3A_70] : memref<10112x64xf32, #tpu.memory_space<hbm>> -> memref<10112x64xf32, #tpu.memory_space<hbm>>
      tpu.wait_indirect_dma semaphore(%arg13 : memref<!tpu.dma_semaphore, #tpu.memory_space<semaphore_mem>>) src(%dma_wait3A_71 : memref<10112x64xf32, #tpu.memory_space<hbm>>) dst(%arg10 : memref<125x64xf32, #tpu.memory_space<vmem>>)
      "tpu.region"() ({
        %run_scoped3A = tpu.sem_alloc : memref<!tpu.dma_semaphore, #tpu.memory_space<semaphore_mem>>
        %dma_start3A_97 = arith.constant 0 : i32
        %dma_start3A_98 = tpu.memref_slice %arg9[%add3A_62, %dma_start3A_97] : memref<160x125xi32, #tpu.memory_space<vmem>> -> memref<1x125xi32, #tpu.memory_space<vmem>>
        %dma_start3A_99 = tpu.memref_squeeze %dma_start3A_98 : memref<1x125xi32, #tpu.memory_space<vmem>> -> memref<125xi32, #tpu.memory_space<vmem>>
        %dma_start3A_100 = arith.constant 0 : i32
        %dma_start3A_101 = arith.constant 0 : i32
        %dma_start3A_102 = tpu.memref_slice %arg12[%dma_start3A_100, %dma_start3A_101] : memref<10112x64xf32, #tpu.memory_space<vmem_shared>> -> memref<10112x64xf32, #tpu.memory_space<vmem_shared>>
        tpu.enqueue_indirect_dma source(%arg10 : memref<125x64xf32, #tpu.memory_space<vmem>>) target(%dma_start3A_102 : memref<10112x64xf32, #tpu.memory_space<vmem_shared>>) offsets(%dma_start3A_99 : memref<125xi32, #tpu.memory_space<vmem>>) semaphore(%run_scoped3A : memref<!tpu.dma_semaphore, #tpu.memory_space<semaphore_mem>>) {add = true}
        %dma_wait3A_103 = arith.constant 0 : i32
        %dma_wait3A_104 = tpu.memref_slice %arg9[%add3A_62, %dma_wait3A_103] : memref<160x125xi32, #tpu.memory_space<vmem>> -> memref<1x125xi32, #tpu.memory_space<vmem>>
        %dma_wait3A_105 = tpu.memref_squeeze %dma_wait3A_104 : memref<1x125xi32, #tpu.memory_space<vmem>> -> memref<125xi32, #tpu.memory_space<vmem>>
        %dma_wait3A_106 = arith.constant 0 : i32
        %dma_wait3A_107 = arith.constant 0 : i32
        %dma_wait3A_108 = tpu.memref_slice %arg12[%dma_wait3A_106, %dma_wait3A_107] : memref<10112x64xf32, #tpu.memory_space<vmem_shared>> -> memref<10112x64xf32, #tpu.memory_space<vmem_shared>>
        tpu.wait_indirect_dma semaphore(%run_scoped3A : memref<!tpu.dma_semaphore, #tpu.memory_space<semaphore_mem>>) src(%arg10 : memref<125x64xf32, #tpu.memory_space<vmem>>) dst(%dma_wait3A_108 : memref<10112x64xf32, #tpu.memory_space<vmem_shared>>)
        tpu.yield
      }) : () -> ()
      %add3A_72 = arith.constant 2 : i32
      %add3A_73 = arith.addi %add3A_62, %add3A_72 : i32
      %lt3A = arith.constant 160 : i32
      %lt3A_74 = arith.cmpi slt, %add3A_73, %lt3A : i32
      %convert_element_type3A = arith.extui %lt3A_74 : i1 to i32
      %cond3A = arith.constant 0 : i32
      %cond3A_75 = arith.cmpi ne, %convert_element_type3A, %cond3A : i32
      scf.if %cond3A_75 {
        %dma_start3A_97 = arith.constant 0 : i32
        %dma_start3A_98 = tpu.memref_slice %arg8[%add3A_73, %dma_start3A_97] : memref<160x125xi32, #tpu.memory_space<vmem>> -> memref<1x125xi32, #tpu.memory_space<vmem>>
        %dma_start3A_99 = tpu.memref_squeeze %dma_start3A_98 : memref<1x125xi32, #tpu.memory_space<vmem>> -> memref<125xi32, #tpu.memory_space<vmem>>
        %dma_start3A_100 = arith.constant 0 : i32
        %dma_start3A_101 = arith.constant 0 : i32
        %dma_start3A_102 = tpu.memref_slice %arg2[%arg0, %dma_start3A_100, %dma_start3A_101] : memref<2x10112x64xf32, #tpu.memory_space<hbm>> -> memref<1x10112x64xf32, #tpu.memory_space<hbm>>
        %dma_start3A_103 = tpu.memref_squeeze %dma_start3A_102 : memref<1x10112x64xf32, #tpu.memory_space<hbm>> -> memref<10112x64xf32, #tpu.memory_space<hbm>>
        %dma_start3A_104 = arith.constant 0 : i32
        %dma_start3A_105 = arith.constant 0 : i32
        %dma_start3A_106 = tpu.memref_slice %dma_start3A_103[%dma_start3A_104, %dma_start3A_105] : memref<10112x64xf32, #tpu.memory_space<hbm>> -> memref<10112x64xf32, #tpu.memory_space<hbm>>
        tpu.enqueue_indirect_dma source(%dma_start3A_106 : memref<10112x64xf32, #tpu.memory_space<hbm>>) target(%arg10 : memref<125x64xf32, #tpu.memory_space<vmem>>) offsets(%dma_start3A_99 : memref<125xi32, #tpu.memory_space<vmem>>) semaphore(%arg13 : memref<!tpu.dma_semaphore, #tpu.memory_space<semaphore_mem>>)
      } else {
      }
      %mul3A_76 = arith.constant 2 : i32
      %mul3A_77 = arith.muli %scan3A_59, %mul3A_76 : i32
      %add3A_78 = arith.constant 1 : i32
      %add3A_79 = arith.addi %mul3A_77, %add3A_78 : i32
      %dma_wait3A_80 = arith.constant 0 : i32
      %dma_wait3A_81 = tpu.memref_slice %arg8[%add3A_79, %dma_wait3A_80] : memref<160x125xi32, #tpu.memory_space<vmem>> -> memref<1x125xi32, #tpu.memory_space<vmem>>
      %dma_wait3A_82 = tpu.memref_squeeze %dma_wait3A_81 : memref<1x125xi32, #tpu.memory_space<vmem>> -> memref<125xi32, #tpu.memory_space<vmem>>
      %dma_wait3A_83 = arith.constant 0 : i32
      %dma_wait3A_84 = arith.constant 0 : i32
      %dma_wait3A_85 = tpu.memref_slice %arg2[%arg0, %dma_wait3A_83, %dma_wait3A_84] : memref<2x10112x64xf32, #tpu.memory_space<hbm>> -> memref<1x10112x64xf32, #tpu.memory_space<hbm>>
      %dma_wait3A_86 = tpu.memref_squeeze %dma_wait3A_85 : memref<1x10112x64xf32, #tpu.memory_space<hbm>> -> memref<10112x64xf32, #tpu.memory_space<hbm>>
      %dma_wait3A_87 = arith.constant 0 : i32
      %dma_wait3A_88 = arith.constant 0 : i32
      %dma_wait3A_89 = tpu.memref_slice %dma_wait3A_86[%dma_wait3A_87, %dma_wait3A_88] : memref<10112x64xf32, #tpu.memory_space<hbm>> -> memref<10112x64xf32, #tpu.memory_space<hbm>>
      tpu.wait_indirect_dma semaphore(%arg14 : memref<!tpu.dma_semaphore, #tpu.memory_space<semaphore_mem>>) src(%dma_wait3A_89 : memref<10112x64xf32, #tpu.memory_space<hbm>>) dst(%arg11 : memref<125x64xf32, #tpu.memory_space<vmem>>)
      "tpu.region"() ({
        %run_scoped3A = tpu.sem_alloc : memref<!tpu.dma_semaphore, #tpu.memory_space<semaphore_mem>>
        %dma_start3A_97 = arith.constant 0 : i32
        %dma_start3A_98 = tpu.memref_slice %arg9[%add3A_79, %dma_start3A_97] : memref<160x125xi32, #tpu.memory_space<vmem>> -> memref<1x125xi32, #tpu.memory_space<vmem>>
        %dma_start3A_99 = tpu.memref_squeeze %dma_start3A_98 : memref<1x125xi32, #tpu.memory_space<vmem>> -> memref<125xi32, #tpu.memory_space<vmem>>
        %dma_start3A_100 = arith.constant 0 : i32
        %dma_start3A_101 = arith.constant 0 : i32
        %dma_start3A_102 = tpu.memref_slice %arg12[%dma_start3A_100, %dma_start3A_101] : memref<10112x64xf32, #tpu.memory_space<vmem_shared>> -> memref<10112x64xf32, #tpu.memory_space<vmem_shared>>
        tpu.enqueue_indirect_dma source(%arg11 : memref<125x64xf32, #tpu.memory_space<vmem>>) target(%dma_start3A_102 : memref<10112x64xf32, #tpu.memory_space<vmem_shared>>) offsets(%dma_start3A_99 : memref<125xi32, #tpu.memory_space<vmem>>) semaphore(%run_scoped3A : memref<!tpu.dma_semaphore, #tpu.memory_space<semaphore_mem>>) {add = true}
        %dma_wait3A_103 = arith.constant 0 : i32
        %dma_wait3A_104 = tpu.memref_slice %arg9[%add3A_79, %dma_wait3A_103] : memref<160x125xi32, #tpu.memory_space<vmem>> -> memref<1x125xi32, #tpu.memory_space<vmem>>
        %dma_wait3A_105 = tpu.memref_squeeze %dma_wait3A_104 : memref<1x125xi32, #tpu.memory_space<vmem>> -> memref<125xi32, #tpu.memory_space<vmem>>
        %dma_wait3A_106 = arith.constant 0 : i32
        %dma_wait3A_107 = arith.constant 0 : i32
        %dma_wait3A_108 = tpu.memref_slice %arg12[%dma_wait3A_106, %dma_wait3A_107] : memref<10112x64xf32, #tpu.memory_space<vmem_shared>> -> memref<10112x64xf32, #tpu.memory_space<vmem_shared>>
        tpu.wait_indirect_dma semaphore(%run_scoped3A : memref<!tpu.dma_semaphore, #tpu.memory_space<semaphore_mem>>) src(%arg11 : memref<125x64xf32, #tpu.memory_space<vmem>>) dst(%dma_wait3A_108 : memref<10112x64xf32, #tpu.memory_space<vmem_shared>>)
        tpu.yield
      }) : () -> ()
      %add3A_90 = arith.constant 2 : i32
      %add3A_91 = arith.addi %add3A_79, %add3A_90 : i32
      %lt3A_92 = arith.constant 160 : i32
      %lt3A_93 = arith.cmpi slt, %add3A_91, %lt3A_92 : i32
      %convert_element_type3A_94 = arith.extui %lt3A_93 : i1 to i32
      %cond3A_95 = arith.constant 0 : i32
      %cond3A_96 = arith.cmpi ne, %convert_element_type3A_94, %cond3A_95 : i32
      scf.if %cond3A_96 {
        %dma_start3A_97 = arith.constant 0 : i32
        %dma_start3A_98 = tpu.memref_slice %arg8[%add3A_91, %dma_start3A_97] : memref<160x125xi32, #tpu.memory_space<vmem>> -> memref<1x125xi32, #tpu.memory_space<vmem>>
        %dma_start3A_99 = tpu.memref_squeeze %dma_start3A_98 : memref<1x125xi32, #tpu.memory_space<vmem>> -> memref<125xi32, #tpu.memory_space<vmem>>
        %dma_start3A_100 = arith.constant 0 : i32
        %dma_start3A_101 = arith.constant 0 : i32
        %dma_start3A_102 = tpu.memref_slice %arg2[%arg0, %dma_start3A_100, %dma_start3A_101] : memref<2x10112x64xf32, #tpu.memory_space<hbm>> -> memref<1x10112x64xf32, #tpu.memory_space<hbm>>
        %dma_start3A_103 = tpu.memref_squeeze %dma_start3A_102 : memref<1x10112x64xf32, #tpu.memory_space<hbm>> -> memref<10112x64xf32, #tpu.memory_space<hbm>>
        %dma_start3A_104 = arith.constant 0 : i32
        %dma_start3A_105 = arith.constant 0 : i32
        %dma_start3A_106 = tpu.memref_slice %dma_start3A_103[%dma_start3A_104, %dma_start3A_105] : memref<10112x64xf32, #tpu.memory_space<hbm>> -> memref<10112x64xf32, #tpu.memory_space<hbm>>
        tpu.enqueue_indirect_dma source(%dma_start3A_106 : memref<10112x64xf32, #tpu.memory_space<hbm>>) target(%arg11 : memref<125x64xf32, #tpu.memory_space<vmem>>) offsets(%dma_start3A_99 : memref<125xi32, #tpu.memory_space<vmem>>) semaphore(%arg14 : memref<!tpu.dma_semaphore, #tpu.memory_space<semaphore_mem>>)
      } else {
      }
    }
    %scan3A_26 = arith.constant 80 : i32
    %barrier3A_27 = arith.constant 0 : index
    tpu.barrier barrier_id(%barrier3A_27)
    "tpu.region"() ({
      %run_scoped3A = tpu.sem_alloc : memref<!tpu.dma_semaphore, #tpu.memory_space<semaphore_mem>>
      %dma_start3A_59 = arith.constant 0 : i32
      %dma_start3A_60 = tpu.memref_slice %arg6[%arg0, %mul3A_0, %dma_start3A_59] : memref<2x10112x64xf32, #tpu.memory_space<hbm>> -> memref<1x632x64xf32, #tpu.memory_space<hbm>>
      %dma_start3A_61 = tpu.memref_squeeze %dma_start3A_60 : memref<1x632x64xf32, #tpu.memory_space<hbm>> -> memref<632x64xf32, #tpu.memory_space<hbm>>
      %dma_start3A_62 = arith.constant 0 : i32
      %dma_start3A_63 = tpu.memref_slice %arg12[%mul3A_0, %dma_start3A_62] : memref<10112x64xf32, #tpu.memory_space<vmem_shared>> -> memref<632x64xf32, #tpu.memory_space<vmem_shared>>
      tpu.enqueue_dma source(%dma_start3A_63 : memref<632x64xf32, #tpu.memory_space<vmem_shared>>) target(%dma_start3A_61 : memref<632x64xf32, #tpu.memory_space<hbm>>) target_semaphore(%run_scoped3A : memref<!tpu.dma_semaphore, #tpu.memory_space<semaphore_mem>>)
      %dma_wait3A = arith.constant 0 : i32
      %dma_wait3A_64 = tpu.memref_slice %arg6[%arg0, %mul3A_0, %dma_wait3A] : memref<2x10112x64xf32, #tpu.memory_space<hbm>> -> memref<1x632x64xf32, #tpu.memory_space<hbm>>
      %dma_wait3A_65 = tpu.memref_squeeze %dma_wait3A_64 : memref<1x632x64xf32, #tpu.memory_space<hbm>> -> memref<632x64xf32, #tpu.memory_space<hbm>>
      %dma_wait3A_66 = arith.constant 0 : i32
      %dma_wait3A_67 = tpu.memref_slice %arg12[%mul3A_0, %dma_wait3A_66] : memref<10112x64xf32, #tpu.memory_space<vmem_shared>> -> memref<632x64xf32, #tpu.memory_space<vmem_shared>>
      tpu.wait_dma2 semaphore(%run_scoped3A : memref<!tpu.dma_semaphore, #tpu.memory_space<semaphore_mem>>) src(%dma_wait3A_67 : memref<632x64xf32, #tpu.memory_space<vmem_shared>>) dst(%dma_wait3A_65 : memref<632x64xf32, #tpu.memory_space<hbm>>)
      tpu.yield
    }) : () -> ()
    %barrier3A_28 = arith.constant 0 : index
    tpu.barrier barrier_id(%barrier3A_28)
    "tpu.region"() ({
      %run_scoped3A = tpu.sem_alloc : memref<!tpu.dma_semaphore, #tpu.memory_space<semaphore_mem>>
      %dma_start3A_59 = arith.constant 0 : i32
      %dma_start3A_60 = tpu.memref_slice %arg12[%mul3A_0, %dma_start3A_59] : memref<10112x64xf32, #tpu.memory_space<vmem_shared>> -> memref<632x64xf32, #tpu.memory_space<vmem_shared>>
      tpu.enqueue_dma source(%arg5 : memref<632x64xf32, #tpu.memory_space<hbm>>) target(%dma_start3A_60 : memref<632x64xf32, #tpu.memory_space<vmem_shared>>) target_semaphore(%run_scoped3A : memref<!tpu.dma_semaphore, #tpu.memory_space<semaphore_mem>>)
      %dma_wait3A = arith.constant 0 : i32
      %dma_wait3A_61 = tpu.memref_slice %arg12[%mul3A_0, %dma_wait3A] : memref<10112x64xf32, #tpu.memory_space<vmem_shared>> -> memref<632x64xf32, #tpu.memory_space<vmem_shared>>
      tpu.wait_dma2 semaphore(%run_scoped3A : memref<!tpu.dma_semaphore, #tpu.memory_space<semaphore_mem>>) src(%arg5 : memref<632x64xf32, #tpu.memory_space<hbm>>) dst(%dma_wait3A_61 : memref<632x64xf32, #tpu.memory_space<vmem_shared>>)
      tpu.yield
    }) : () -> ()
    %barrier3A_29 = arith.constant 0 : index
    tpu.barrier barrier_id(%barrier3A_29)
    %dma_start3A_30 = arith.constant 0 : i32
    %dma_start3A_31 = arith.constant 0 : i32
    %dma_start3A_32 = tpu.memref_slice %arg8[%dma_start3A_30, %dma_start3A_31] : memref<160x125xi32, #tpu.memory_space<vmem>> -> memref<1x125xi32, #tpu.memory_space<vmem>>
    %dma_start3A_33 = tpu.memref_squeeze %dma_start3A_32 : memref<1x125xi32, #tpu.memory_space<vmem>> -> memref<125xi32, #tpu.memory_space<vmem>>
    %dma_start3A_34 = arith.constant 0 : i32
    %dma_start3A_35 = arith.constant 0 : i32
    %dma_start3A_36 = tpu.memref_slice %arg6[%arg0, %dma_start3A_34, %dma_start3A_35] : memref<2x10112x64xf32, #tpu.memory_space<hbm>> -> memref<1x10112x64xf32, #tpu.memory_space<hbm>>
    %dma_start3A_37 = tpu.memref_squeeze %dma_start3A_36 : memref<1x10112x64xf32, #tpu.memory_space<hbm>> -> memref<10112x64xf32, #tpu.memory_space<hbm>>
    %dma_start3A_38 = arith.constant 0 : i32
    %dma_start3A_39 = arith.constant 0 : i32
    %dma_start3A_40 = tpu.memref_slice %dma_start3A_37[%dma_start3A_38, %dma_start3A_39] : memref<10112x64xf32, #tpu.memory_space<hbm>> -> memref<10112x64xf32, #tpu.memory_space<hbm>>
    tpu.enqueue_indirect_dma source(%dma_start3A_40 : memref<10112x64xf32, #tpu.memory_space<hbm>>) target(%arg10 : memref<125x64xf32, #tpu.memory_space<vmem>>) offsets(%dma_start3A_33 : memref<125xi32, #tpu.memory_space<vmem>>) semaphore(%arg13 : memref<!tpu.dma_semaphore, #tpu.memory_space<semaphore_mem>>)
    %dma_start3A_41 = arith.constant 1 : i32
    %dma_start3A_42 = arith.constant 0 : i32
    %dma_start3A_43 = tpu.memref_slice %arg8[%dma_start3A_41, %dma_start3A_42] : memref<160x125xi32, #tpu.memory_space<vmem>> -> memref<1x125xi32, #tpu.memory_space<vmem>>
    %dma_start3A_44 = tpu.memref_squeeze %dma_start3A_43 : memref<1x125xi32, #tpu.memory_space<vmem>> -> memref<125xi32, #tpu.memory_space<vmem>>
    %dma_start3A_45 = arith.constant 0 : i32
    %dma_start3A_46 = arith.constant 0 : i32
    %dma_start3A_47 = tpu.memref_slice %arg6[%arg0, %dma_start3A_45, %dma_start3A_46] : memref<2x10112x64xf32, #tpu.memory_space<hbm>> -> memref<1x10112x64xf32, #tpu.memory_space<hbm>>
    %dma_start3A_48 = tpu.memref_squeeze %dma_start3A_47 : memref<1x10112x64xf32, #tpu.memory_space<hbm>> -> memref<10112x64xf32, #tpu.memory_space<hbm>>
    %dma_start3A_49 = arith.constant 0 : i32
    %dma_start3A_50 = arith.constant 0 : i32
    %dma_start3A_51 = tpu.memref_slice %dma_start3A_48[%dma_start3A_49, %dma_start3A_50] : memref<10112x64xf32, #tpu.memory_space<hbm>> -> memref<10112x64xf32, #tpu.memory_space<hbm>>
    tpu.enqueue_indirect_dma source(%dma_start3A_51 : memref<10112x64xf32, #tpu.memory_space<hbm>>) target(%arg11 : memref<125x64xf32, #tpu.memory_space<vmem>>) offsets(%dma_start3A_44 : memref<125xi32, #tpu.memory_space<vmem>>) semaphore(%arg14 : memref<!tpu.dma_semaphore, #tpu.memory_space<semaphore_mem>>)
    %scan3A_52 = arith.constant 0 : i32
    %scan3A_53 = arith.constant 0 : i32
    %scan3A_54 = arith.constant 80 : i32
    %scan3A_55 = arith.addi %scan3A_53, %scan3A_54 : i32
    %scan3A_56 = arith.constant 1 : i32
    scf.for %scan3A_59 = %scan3A_53 to %scan3A_55 step %scan3A_56  : i32 {
      %mul3A_60 = arith.constant 2 : i32
      %mul3A_61 = arith.muli %scan3A_59, %mul3A_60 : i32
      %add3A = arith.constant 0 : i32
      %add3A_62 = arith.addi %mul3A_61, %add3A : i32
      %dma_wait3A = arith.constant 0 : i32
      %dma_wait3A_63 = tpu.memref_slice %arg8[%add3A_62, %dma_wait3A] : memref<160x125xi32, #tpu.memory_space<vmem>> -> memref<1x125xi32, #tpu.memory_space<vmem>>
      %dma_wait3A_64 = tpu.memref_squeeze %dma_wait3A_63 : memref<1x125xi32, #tpu.memory_space<vmem>> -> memref<125xi32, #tpu.memory_space<vmem>>
      %dma_wait3A_65 = arith.constant 0 : i32
      %dma_wait3A_66 = arith.constant 0 : i32
      %dma_wait3A_67 = tpu.memref_slice %arg6[%arg0, %dma_wait3A_65, %dma_wait3A_66] : memref<2x10112x64xf32, #tpu.memory_space<hbm>> -> memref<1x10112x64xf32, #tpu.memory_space<hbm>>
      %dma_wait3A_68 = tpu.memref_squeeze %dma_wait3A_67 : memref<1x10112x64xf32, #tpu.memory_space<hbm>> -> memref<10112x64xf32, #tpu.memory_space<hbm>>
      %dma_wait3A_69 = arith.constant 0 : i32
      %dma_wait3A_70 = arith.constant 0 : i32
      %dma_wait3A_71 = tpu.memref_slice %dma_wait3A_68[%dma_wait3A_69, %dma_wait3A_70] : memref<10112x64xf32, #tpu.memory_space<hbm>> -> memref<10112x64xf32, #tpu.memory_space<hbm>>
      tpu.wait_indirect_dma semaphore(%arg13 : memref<!tpu.dma_semaphore, #tpu.memory_space<semaphore_mem>>) src(%dma_wait3A_71 : memref<10112x64xf32, #tpu.memory_space<hbm>>) dst(%arg10 : memref<125x64xf32, #tpu.memory_space<vmem>>)
      "tpu.region"() ({
        %run_scoped3A = tpu.sem_alloc : memref<!tpu.dma_semaphore, #tpu.memory_space<semaphore_mem>>
        %dma_start3A_97 = arith.constant 0 : i32
        %dma_start3A_98 = tpu.memref_slice %arg9[%add3A_62, %dma_start3A_97] : memref<160x125xi32, #tpu.memory_space<vmem>> -> memref<1x125xi32, #tpu.memory_space<vmem>>
        %dma_start3A_99 = tpu.memref_squeeze %dma_start3A_98 : memref<1x125xi32, #tpu.memory_space<vmem>> -> memref<125xi32, #tpu.memory_space<vmem>>
        %dma_start3A_100 = arith.constant 0 : i32
        %dma_start3A_101 = arith.constant 0 : i32
        %dma_start3A_102 = tpu.memref_slice %arg12[%dma_start3A_100, %dma_start3A_101] : memref<10112x64xf32, #tpu.memory_space<vmem_shared>> -> memref<10112x64xf32, #tpu.memory_space<vmem_shared>>
        tpu.enqueue_indirect_dma source(%arg10 : memref<125x64xf32, #tpu.memory_space<vmem>>) target(%dma_start3A_102 : memref<10112x64xf32, #tpu.memory_space<vmem_shared>>) offsets(%dma_start3A_99 : memref<125xi32, #tpu.memory_space<vmem>>) semaphore(%run_scoped3A : memref<!tpu.dma_semaphore, #tpu.memory_space<semaphore_mem>>) {add = true}
        %dma_wait3A_103 = arith.constant 0 : i32
        %dma_wait3A_104 = tpu.memref_slice %arg9[%add3A_62, %dma_wait3A_103] : memref<160x125xi32, #tpu.memory_space<vmem>> -> memref<1x125xi32, #tpu.memory_space<vmem>>
        %dma_wait3A_105 = tpu.memref_squeeze %dma_wait3A_104 : memref<1x125xi32, #tpu.memory_space<vmem>> -> memref<125xi32, #tpu.memory_space<vmem>>
        %dma_wait3A_106 = arith.constant 0 : i32
        %dma_wait3A_107 = arith.constant 0 : i32
        %dma_wait3A_108 = tpu.memref_slice %arg12[%dma_wait3A_106, %dma_wait3A_107] : memref<10112x64xf32, #tpu.memory_space<vmem_shared>> -> memref<10112x64xf32, #tpu.memory_space<vmem_shared>>
        tpu.wait_indirect_dma semaphore(%run_scoped3A : memref<!tpu.dma_semaphore, #tpu.memory_space<semaphore_mem>>) src(%arg10 : memref<125x64xf32, #tpu.memory_space<vmem>>) dst(%dma_wait3A_108 : memref<10112x64xf32, #tpu.memory_space<vmem_shared>>)
        tpu.yield
      }) : () -> ()
      %add3A_72 = arith.constant 2 : i32
      %add3A_73 = arith.addi %add3A_62, %add3A_72 : i32
      %lt3A = arith.constant 160 : i32
      %lt3A_74 = arith.cmpi slt, %add3A_73, %lt3A : i32
      %convert_element_type3A = arith.extui %lt3A_74 : i1 to i32
      %cond3A = arith.constant 0 : i32
      %cond3A_75 = arith.cmpi ne, %convert_element_type3A, %cond3A : i32
      scf.if %cond3A_75 {
        %dma_start3A_97 = arith.constant 0 : i32
        %dma_start3A_98 = tpu.memref_slice %arg8[%add3A_73, %dma_start3A_97] : memref<160x125xi32, #tpu.memory_space<vmem>> -> memref<1x125xi32, #tpu.memory_space<vmem>>
        %dma_start3A_99 = tpu.memref_squeeze %dma_start3A_98 : memref<1x125xi32, #tpu.memory_space<vmem>> -> memref<125xi32, #tpu.memory_space<vmem>>
        %dma_start3A_100 = arith.constant 0 : i32
        %dma_start3A_101 = arith.constant 0 : i32
        %dma_start3A_102 = tpu.memref_slice %arg6[%arg0, %dma_start3A_100, %dma_start3A_101] : memref<2x10112x64xf32, #tpu.memory_space<hbm>> -> memref<1x10112x64xf32, #tpu.memory_space<hbm>>
        %dma_start3A_103 = tpu.memref_squeeze %dma_start3A_102 : memref<1x10112x64xf32, #tpu.memory_space<hbm>> -> memref<10112x64xf32, #tpu.memory_space<hbm>>
        %dma_start3A_104 = arith.constant 0 : i32
        %dma_start3A_105 = arith.constant 0 : i32
        %dma_start3A_106 = tpu.memref_slice %dma_start3A_103[%dma_start3A_104, %dma_start3A_105] : memref<10112x64xf32, #tpu.memory_space<hbm>> -> memref<10112x64xf32, #tpu.memory_space<hbm>>
        tpu.enqueue_indirect_dma source(%dma_start3A_106 : memref<10112x64xf32, #tpu.memory_space<hbm>>) target(%arg10 : memref<125x64xf32, #tpu.memory_space<vmem>>) offsets(%dma_start3A_99 : memref<125xi32, #tpu.memory_space<vmem>>) semaphore(%arg13 : memref<!tpu.dma_semaphore, #tpu.memory_space<semaphore_mem>>)
      } else {
      }
      %mul3A_76 = arith.constant 2 : i32
      %mul3A_77 = arith.muli %scan3A_59, %mul3A_76 : i32
      %add3A_78 = arith.constant 1 : i32
      %add3A_79 = arith.addi %mul3A_77, %add3A_78 : i32
      %dma_wait3A_80 = arith.constant 0 : i32
      %dma_wait3A_81 = tpu.memref_slice %arg8[%add3A_79, %dma_wait3A_80] : memref<160x125xi32, #tpu.memory_space<vmem>> -> memref<1x125xi32, #tpu.memory_space<vmem>>
      %dma_wait3A_82 = tpu.memref_squeeze %dma_wait3A_81 : memref<1x125xi32, #tpu.memory_space<vmem>> -> memref<125xi32, #tpu.memory_space<vmem>>
      %dma_wait3A_83 = arith.constant 0 : i32
      %dma_wait3A_84 = arith.constant 0 : i32
      %dma_wait3A_85 = tpu.memref_slice %arg6[%arg0, %dma_wait3A_83, %dma_wait3A_84] : memref<2x10112x64xf32, #tpu.memory_space<hbm>> -> memref<1x10112x64xf32, #tpu.memory_space<hbm>>
      %dma_wait3A_86 = tpu.memref_squeeze %dma_wait3A_85 : memref<1x10112x64xf32, #tpu.memory_space<hbm>> -> memref<10112x64xf32, #tpu.memory_space<hbm>>
      %dma_wait3A_87 = arith.constant 0 : i32
      %dma_wait3A_88 = arith.constant 0 : i32
      %dma_wait3A_89 = tpu.memref_slice %dma_wait3A_86[%dma_wait3A_87, %dma_wait3A_88] : memref<10112x64xf32, #tpu.memory_space<hbm>> -> memref<10112x64xf32, #tpu.memory_space<hbm>>
      tpu.wait_indirect_dma semaphore(%arg14 : memref<!tpu.dma_semaphore, #tpu.memory_space<semaphore_mem>>) src(%dma_wait3A_89 : memref<10112x64xf32, #tpu.memory_space<hbm>>) dst(%arg11 : memref<125x64xf32, #tpu.memory_space<vmem>>)
      "tpu.region"() ({
        %run_scoped3A = tpu.sem_alloc : memref<!tpu.dma_semaphore, #tpu.memory_space<semaphore_mem>>
        %dma_start3A_97 = arith.constant 0 : i32
        %dma_start3A_98 = tpu.memref_slice %arg9[%add3A_79, %dma_start3A_97] : memref<160x125xi32, #tpu.memory_space<vmem>> -> memref<1x125xi32, #tpu.memory_space<vmem>>
        %dma_start3A_99 = tpu.memref_squeeze %dma_start3A_98 : memref<1x125xi32, #tpu.memory_space<vmem>> -> memref<125xi32, #tpu.memory_space<vmem>>
        %dma_start3A_100 = arith.constant 0 : i32
        %dma_start3A_101 = arith.constant 0 : i32
        %dma_start3A_102 = tpu.memref_slice %arg12[%dma_start3A_100, %dma_start3A_101] : memref<10112x64xf32, #tpu.memory_space<vmem_shared>> -> memref<10112x64xf32, #tpu.memory_space<vmem_shared>>
        tpu.enqueue_indirect_dma source(%arg11 : memref<125x64xf32, #tpu.memory_space<vmem>>) target(%dma_start3A_102 : memref<10112x64xf32, #tpu.memory_space<vmem_shared>>) offsets(%dma_start3A_99 : memref<125xi32, #tpu.memory_space<vmem>>) semaphore(%run_scoped3A : memref<!tpu.dma_semaphore, #tpu.memory_space<semaphore_mem>>) {add = true}
        %dma_wait3A_103 = arith.constant 0 : i32
        %dma_wait3A_104 = tpu.memref_slice %arg9[%add3A_79, %dma_wait3A_103] : memref<160x125xi32, #tpu.memory_space<vmem>> -> memref<1x125xi32, #tpu.memory_space<vmem>>
        %dma_wait3A_105 = tpu.memref_squeeze %dma_wait3A_104 : memref<1x125xi32, #tpu.memory_space<vmem>> -> memref<125xi32, #tpu.memory_space<vmem>>
        %dma_wait3A_106 = arith.constant 0 : i32
        %dma_wait3A_107 = arith.constant 0 : i32
        %dma_wait3A_108 = tpu.memref_slice %arg12[%dma_wait3A_106, %dma_wait3A_107] : memref<10112x64xf32, #tpu.memory_space<vmem_shared>> -> memref<10112x64xf32, #tpu.memory_space<vmem_shared>>
        tpu.wait_indirect_dma semaphore(%run_scoped3A : memref<!tpu.dma_semaphore, #tpu.memory_space<semaphore_mem>>) src(%arg11 : memref<125x64xf32, #tpu.memory_space<vmem>>) dst(%dma_wait3A_108 : memref<10112x64xf32, #tpu.memory_space<vmem_shared>>)
        tpu.yield
      }) : () -> ()
      %add3A_90 = arith.constant 2 : i32
      %add3A_91 = arith.addi %add3A_79, %add3A_90 : i32
      %lt3A_92 = arith.constant 160 : i32
      %lt3A_93 = arith.cmpi slt, %add3A_91, %lt3A_92 : i32
      %convert_element_type3A_94 = arith.extui %lt3A_93 : i1 to i32
      %cond3A_95 = arith.constant 0 : i32
      %cond3A_96 = arith.cmpi ne, %convert_element_type3A_94, %cond3A_95 : i32
      scf.if %cond3A_96 {
        %dma_start3A_97 = arith.constant 0 : i32
        %dma_start3A_98 = tpu.memref_slice %arg8[%add3A_91, %dma_start3A_97] : memref<160x125xi32, #tpu.memory_space<vmem>> -> memref<1x125xi32, #tpu.memory_space<vmem>>
        %dma_start3A_99 = tpu.memref_squeeze %dma_start3A_98 : memref<1x125xi32, #tpu.memory_space<vmem>> -> memref<125xi32, #tpu.memory_space<vmem>>
        %dma_start3A_100 = arith.constant 0 : i32
        %dma_start3A_101 = arith.constant 0 : i32
        %dma_start3A_102 = tpu.memref_slice %arg6[%arg0, %dma_start3A_100, %dma_start3A_101] : memref<2x10112x64xf32, #tpu.memory_space<hbm>> -> memref<1x10112x64xf32, #tpu.memory_space<hbm>>
        %dma_start3A_103 = tpu.memref_squeeze %dma_start3A_102 : memref<1x10112x64xf32, #tpu.memory_space<hbm>> -> memref<10112x64xf32, #tpu.memory_space<hbm>>
        %dma_start3A_104 = arith.constant 0 : i32
        %dma_start3A_105 = arith.constant 0 : i32
        %dma_start3A_106 = tpu.memref_slice %dma_start3A_103[%dma_start3A_104, %dma_start3A_105] : memref<10112x64xf32, #tpu.memory_space<hbm>> -> memref<10112x64xf32, #tpu.memory_space<hbm>>
        tpu.enqueue_indirect_dma source(%dma_start3A_106 : memref<10112x64xf32, #tpu.memory_space<hbm>>) target(%arg11 : memref<125x64xf32, #tpu.memory_space<vmem>>) offsets(%dma_start3A_99 : memref<125xi32, #tpu.memory_space<vmem>>) semaphore(%arg14 : memref<!tpu.dma_semaphore, #tpu.memory_space<semaphore_mem>>)
      } else {
      }
    }
    %scan3A_57 = arith.constant 80 : i32
    %barrier3A_58 = arith.constant 0 : index
    tpu.barrier barrier_id(%barrier3A_58)
    "tpu.region"() ({
      %run_scoped3A = tpu.sem_alloc : memref<!tpu.dma_semaphore, #tpu.memory_space<semaphore_mem>>
      %dma_start3A_59 = arith.constant 0 : i32
      %dma_start3A_60 = tpu.memref_slice %arg7[%arg0, %mul3A_0, %dma_start3A_59] : memref<2x10112x64xf32, #tpu.memory_space<hbm>> -> memref<1x632x64xf32, #tpu.memory_space<hbm>>
      %dma_start3A_61 = tpu.memref_squeeze %dma_start3A_60 : memref<1x632x64xf32, #tpu.memory_space<hbm>> -> memref<632x64xf32, #tpu.memory_space<hbm>>
      %dma_start3A_62 = arith.constant 0 : i32
      %dma_start3A_63 = tpu.memref_slice %arg12[%mul3A_0, %dma_start3A_62] : memref<10112x64xf32, #tpu.memory_space<vmem_shared>> -> memref<632x64xf32, #tpu.memory_space<vmem_shared>>
      tpu.enqueue_dma source(%dma_start3A_63 : memref<632x64xf32, #tpu.memory_space<vmem_shared>>) target(%dma_start3A_61 : memref<632x64xf32, #tpu.memory_space<hbm>>) target_semaphore(%run_scoped3A : memref<!tpu.dma_semaphore, #tpu.memory_space<semaphore_mem>>)
      %dma_wait3A = arith.constant 0 : i32
      %dma_wait3A_64 = tpu.memref_slice %arg7[%arg0, %mul3A_0, %dma_wait3A] : memref<2x10112x64xf32, #tpu.memory_space<hbm>> -> memref<1x632x64xf32, #tpu.memory_space<hbm>>
      %dma_wait3A_65 = tpu.memref_squeeze %dma_wait3A_64 : memref<1x632x64xf32, #tpu.memory_space<hbm>> -> memref<632x64xf32, #tpu.memory_space<hbm>>
      %dma_wait3A_66 = arith.constant 0 : i32
      %dma_wait3A_67 = tpu.memref_slice %arg12[%mul3A_0, %dma_wait3A_66] : memref<10112x64xf32, #tpu.memory_space<vmem_shared>> -> memref<632x64xf32, #tpu.memory_space<vmem_shared>>
      tpu.wait_dma2 semaphore(%run_scoped3A : memref<!tpu.dma_semaphore, #tpu.memory_space<semaphore_mem>>) src(%dma_wait3A_67 : memref<632x64xf32, #tpu.memory_space<vmem_shared>>) dst(%dma_wait3A_65 : memref<632x64xf32, #tpu.memory_space<hbm>>)
      tpu.yield
    }) : () -> ()
    return
  }
}

module attributes {stable_mosaic.version = 14 : i64} {
  func.func @_final_body(%arg0: i32, %arg1: memref<1000x128xf32, #tpu.memory_space<vmem>>, %arg2: memref<2x1000x64xf32, #tpu.memory_space<vmem>>, %arg3: memref<2x1000x64xf32, #tpu.memory_space<vmem>>, %arg4: memref<3x128x128xf32, #tpu.memory_space<vmem>>, %arg5: memref<1x128xf32, #tpu.memory_space<vmem>>, %arg6: memref<1000x128xf32, #tpu.memory_space<vmem>>) attributes {dimension_semantics = [#tpu.dimension_semantics<arbitrary>], iteration_bounds = array<i64: 10>, scalar_prefetch = 0 : i64, scratch_operands = 0 : i64, tpu.core_type = #tpu.core_type<tc>, window_params = [{transform_indices = @transform_0, window_bounds = array<i64: 1000, 128>}, {transform_indices = @transform_1, window_bounds = array<i64: 2, 1000, 64>}, {transform_indices = @transform_2, window_bounds = array<i64: 2, 1000, 64>}, {pipeline_mode = #tpu.pipeline_mode<synchronous>, transform_indices = @transform_3, window_bounds = array<i64: 3, 128, 128>}, {pipeline_mode = #tpu.pipeline_mode<synchronous>, transform_indices = @transform_4, window_bounds = array<i64: 1, 128>}, {transform_indices = @transform_5, window_bounds = array<i64: 1000, 128>}]} {
    %get3A = arith.constant 0 : index
    %get3A_0 = arith.constant 0 : index
    %get3A_1 = arith.constant 0 : index
    %get3A_2 = vector.load %arg4[%get3A, %get3A_0, %get3A_1] : memref<3x128x128xf32, #tpu.memory_space<vmem>>, vector<3x128x128xf32>
    %get3A_3 = arith.constant 0 : index
    %get3A_4 = arith.constant 0 : index
    %get3A_5 = arith.constant 0 : index
    %get3A_6 = vector.load %arg2[%get3A_3, %get3A_4, %get3A_5] : memref<2x1000x64xf32, #tpu.memory_space<vmem>>, vector<2x1000x64xf32>
    %get3A_7 = arith.constant 0 : index
    %get3A_8 = arith.constant 0 : index
    %get3A_9 = arith.constant 0 : index
    %get3A_10 = vector.load %arg3[%get3A_7, %get3A_8, %get3A_9] : memref<2x1000x64xf32, #tpu.memory_space<vmem>>, vector<2x1000x64xf32>
    %get3A_11 = arith.constant 0 : index
    %get3A_12 = arith.constant 0 : index
    %get3A_13 = vector.load %arg1[%get3A_11, %get3A_12] : memref<1000x128xf32, #tpu.memory_space<vmem>>, vector<1000x128xf32>
    %slice3A = vector.extract_strided_slice %get3A_2 {offsets = [0, 0, 0], sizes = [1, 128, 128], strides = [1, 1, 1]} : vector<3x128x128xf32> to vector<1x128x128xf32>
    %squeeze3A = vector.shape_cast %slice3A : vector<1x128x128xf32> to vector<128x128xf32>
    %dot_general3A = arith.constant dense<0.000000e+00> : vector<1000x128xf32>
    %dot_general3A_14 = tpu.matmul %get3A_13, %squeeze3A, %dot_general3A {dimension_numbers = #tpu.dot_dimension_numbers<[1], [0], [0], [1], [0, 0, 1, 1], [], []>, transpose_lhs_hint = false} : vector<1000x128xf32>, vector<128x128xf32>, vector<1000x128xf32> -> vector<1000x128xf32>
    %slice3A_15 = vector.extract_strided_slice %get3A_6 {offsets = [0, 0, 0], sizes = [1, 1000, 64], strides = [1, 1, 1]} : vector<2x1000x64xf32> to vector<1x1000x64xf32>
    %squeeze3A_16 = vector.shape_cast %slice3A_15 : vector<1x1000x64xf32> to vector<1000x64xf32>
    %slice3A_17 = vector.extract_strided_slice %get3A_2 {offsets = [1, 0, 0], sizes = [1, 64, 128], strides = [1, 1, 1]} : vector<3x128x128xf32> to vector<1x64x128xf32>
    %squeeze3A_18 = vector.shape_cast %slice3A_17 : vector<1x64x128xf32> to vector<64x128xf32>
    %dot_general3A_19 = arith.constant dense<0.000000e+00> : vector<1000x128xf32>
    %dot_general3A_20 = tpu.matmul %squeeze3A_16, %squeeze3A_18, %dot_general3A_19 {dimension_numbers = #tpu.dot_dimension_numbers<[1], [0], [0], [1], [0, 0, 1, 1], [], []>, transpose_lhs_hint = false} : vector<1000x64xf32>, vector<64x128xf32>, vector<1000x128xf32> -> vector<1000x128xf32>
    %slice3A_21 = vector.extract_strided_slice %get3A_6 {offsets = [1, 0, 0], sizes = [1, 1000, 64], strides = [1, 1, 1]} : vector<2x1000x64xf32> to vector<1x1000x64xf32>
    %squeeze3A_22 = vector.shape_cast %slice3A_21 : vector<1x1000x64xf32> to vector<1000x64xf32>
    %slice3A_23 = vector.extract_strided_slice %get3A_2 {offsets = [1, 64, 0], sizes = [1, 64, 128], strides = [1, 1, 1]} : vector<3x128x128xf32> to vector<1x64x128xf32>
    %squeeze3A_24 = vector.shape_cast %slice3A_23 : vector<1x64x128xf32> to vector<64x128xf32>
    %dot_general3A_25 = arith.constant dense<0.000000e+00> : vector<1000x128xf32>
    %dot_general3A_26 = tpu.matmul %squeeze3A_22, %squeeze3A_24, %dot_general3A_25 {dimension_numbers = #tpu.dot_dimension_numbers<[1], [0], [0], [1], [0, 0, 1, 1], [], []>, transpose_lhs_hint = false} : vector<1000x64xf32>, vector<64x128xf32>, vector<1000x128xf32> -> vector<1000x128xf32>
    %add3A = arith.addf %dot_general3A_20, %dot_general3A_26 : vector<1000x128xf32>
    %mul3A = arith.constant 9.99999974E-5 : f32
    %mul3A_27 = vector.broadcast %mul3A : f32 to vector<1000x128xf32>
    %mul3A_28 = arith.mulf %mul3A_27, %add3A : vector<1000x128xf32>
    %add3A_29 = arith.addf %dot_general3A_14, %mul3A_28 : vector<1000x128xf32>
    %slice3A_30 = vector.extract_strided_slice %get3A_10 {offsets = [0, 0, 0], sizes = [1, 1000, 64], strides = [1, 1, 1]} : vector<2x1000x64xf32> to vector<1x1000x64xf32>
    %squeeze3A_31 = vector.shape_cast %slice3A_30 : vector<1x1000x64xf32> to vector<1000x64xf32>
    %slice3A_32 = vector.extract_strided_slice %get3A_2 {offsets = [2, 0, 0], sizes = [1, 64, 128], strides = [1, 1, 1]} : vector<3x128x128xf32> to vector<1x64x128xf32>
    %squeeze3A_33 = vector.shape_cast %slice3A_32 : vector<1x64x128xf32> to vector<64x128xf32>
    %dot_general3A_34 = arith.constant dense<0.000000e+00> : vector<1000x128xf32>
    %dot_general3A_35 = tpu.matmul %squeeze3A_31, %squeeze3A_33, %dot_general3A_34 {dimension_numbers = #tpu.dot_dimension_numbers<[1], [0], [0], [1], [0, 0, 1, 1], [], []>, transpose_lhs_hint = false} : vector<1000x64xf32>, vector<64x128xf32>, vector<1000x128xf32> -> vector<1000x128xf32>
    %slice3A_36 = vector.extract_strided_slice %get3A_10 {offsets = [1, 0, 0], sizes = [1, 1000, 64], strides = [1, 1, 1]} : vector<2x1000x64xf32> to vector<1x1000x64xf32>
    %squeeze3A_37 = vector.shape_cast %slice3A_36 : vector<1x1000x64xf32> to vector<1000x64xf32>
    %slice3A_38 = vector.extract_strided_slice %get3A_2 {offsets = [2, 64, 0], sizes = [1, 64, 128], strides = [1, 1, 1]} : vector<3x128x128xf32> to vector<1x64x128xf32>
    %squeeze3A_39 = vector.shape_cast %slice3A_38 : vector<1x64x128xf32> to vector<64x128xf32>
    %dot_general3A_40 = arith.constant dense<0.000000e+00> : vector<1000x128xf32>
    %dot_general3A_41 = tpu.matmul %squeeze3A_37, %squeeze3A_39, %dot_general3A_40 {dimension_numbers = #tpu.dot_dimension_numbers<[1], [0], [0], [1], [0, 0, 1, 1], [], []>, transpose_lhs_hint = false} : vector<1000x64xf32>, vector<64x128xf32>, vector<1000x128xf32> -> vector<1000x128xf32>
    %add3A_42 = arith.addf %dot_general3A_35, %dot_general3A_41 : vector<1000x128xf32>
    %mul3A_43 = arith.constant 9.99999993E-9 : f32
    %mul3A_44 = vector.broadcast %mul3A_43 : f32 to vector<1000x128xf32>
    %mul3A_45 = arith.mulf %mul3A_44, %add3A_42 : vector<1000x128xf32>
    %add3A_46 = arith.addf %add3A_29, %mul3A_45 : vector<1000x128xf32>
    %get3A_47 = arith.constant 0 : index
    %get3A_48 = arith.constant 0 : index
    %get3A_49 = vector.load %arg5[%get3A_47, %get3A_48] : memref<1x128xf32, #tpu.memory_space<vmem>>, vector<1x128xf32>
    %add3A_50 = vector.broadcast %get3A_49 : vector<1x128xf32> to vector<1000x128xf32>
    %add3A_51 = arith.addf %add3A_46, %add3A_50 : vector<1000x128xf32>
    %swap3A = arith.constant 0 : index
    %swap3A_52 = arith.constant 0 : index
    %swap3A_53 = vector.load %arg6[%swap3A, %swap3A_52] : memref<1000x128xf32, #tpu.memory_space<vmem>>, vector<1000x128xf32>
    tpu.vector_store %arg6[%swap3A, %swap3A_52], %add3A_51 {strides = array<i32>} : memref<1000x128xf32, #tpu.memory_space<vmem>>, vector<1000x128xf32>,
    return
  }
  func.func @transform_0(%arg0: i32) -> (i32, i32) {
    %c0_i32 = arith.constant 0 : i32
    %c0_i32_0 = arith.constant 0 : i32
    return %arg0, %c0_i32 : i32, i32
  }
  func.func @transform_1(%arg0: i32) -> (i32, i32, i32) {
    %c0_i32 = arith.constant 0 : i32
    %c0_i32_0 = arith.constant 0 : i32
    %c0_i32_1 = arith.constant 0 : i32
    return %c0_i32, %arg0, %c0_i32_0 : i32, i32, i32
  }
  func.func @transform_2(%arg0: i32) -> (i32, i32, i32) {
    %c0_i32 = arith.constant 0 : i32
    %c0_i32_0 = arith.constant 0 : i32
    %c0_i32_1 = arith.constant 0 : i32
    return %c0_i32, %arg0, %c0_i32_0 : i32, i32, i32
  }
  func.func @transform_3(%arg0: i32) -> (i32, i32, i32) {
    %c0_i32 = arith.constant 0 : i32
    %c0_i32_0 = arith.constant 0 : i32
    %c0_i32_1 = arith.constant 0 : i32
    %c0_i32_2 = arith.constant 0 : i32
    return %c0_i32, %c0_i32_0, %c0_i32_1 : i32, i32, i32
  }
  func.func @transform_4(%arg0: i32) -> (i32, i32) {
    %c0_i32 = arith.constant 0 : i32
    %c0_i32_0 = arith.constant 0 : i32
    %c0_i32_1 = arith.constant 0 : i32
    return %c0_i32, %c0_i32_0 : i32, i32
  }
  func.func @transform_5(%arg0: i32) -> (i32, i32) {
    %c0_i32 = arith.constant 0 : i32
    %c0_i32_0 = arith.constant 0 : i32
    return %arg0, %c0_i32 : i32, i32
  }
}

</mosaic_0001>

<sc_bundles>
// kernel: kernel.4.cloned.1.call-start
scs
__scs_entry_jumppad:
0x0: {  	(pc) =	sbr.rel $0x88, $3  }
0x1: {  	(tag) =	ssettag $0x0;
	lr =	simm.s32 $0x1  }
0x2: {  	[smem:$0x3F9D] =	sst lr;
	_ =	strace $0xD0000000  }
0x3: {  	_ = 	snop  }
0x4: {  	_ = 	snop  }
0x5: {  	_ = 	snop  }
0x6: {  	_ = 	snop  }
0x7: {  	_ = 	snop  }
__scs_overlays_trampoline_lowered:
0x8: {  	[smem:$0x3FAC] =	sst s0  }
0x9: {  	[smem:$0x3FAD] =	sst s1  }
0xa: {  	[smem:$0x3FAE] =	sst s2  }
0xb: {  	[smem:$0x3FAF] =	sst s3  }
0xc: {  	[smem:$0x3FB0] =	sst s4  }
0xd: {  	[smem:$0x3FB1] =	sst s5  }
0xe: {  	[smem:$0x3FB2] =	sst s6  }
0xf: {  	[smem:$0x3FB3] =	sst s7  }
0x10: {  	[smem:$0x3FB4] =	sst s8  }
0x11: {  	[smem:$0x3FB5] =	sst s9;
	s0 =	simm.s32 @!p0 $0x0  }
0x12: {  	s1 =	sld [smem:$0x3F9B];
	s0 =	simm.s32 @p0 $0x1  }
0x13: {  	[smem:$0x3FB6] =	sst s0;
	s0 =	simm.s32 @!p1 $0x0  }
0x14: {  	s2 =	sld [smem:$0x3F9A];
	s0 =	simm.s32 @p1 $0x1  }
0x15: {  	[smem:$0x3FB7] =	sst s0;
	s0 =	simm.s32 @!p2 $0x0  }
0x16: {  	s3 =	sld [smem:$0x3FDB];
	s0 =	simm.s32 @p2 $0x1  }
0x17: {  	s4 =	simm.s32 $0x1BF5;
	[smem:$0x3FB9] =	sst s0  }
0x18: {  	s0 =	sld [smem:$0x3F9C];
	_ =	swait.ge [sflag:s4], $0x0  }
0x19: {  	s7 =	sld [smem:$0x3F9D]  }
0x1a: {  	s8 =	sadd.s32 $0xFFFFE003, lr  }
0x1b: {  	s9 =	sadd.s32 $0xFFFFFEF7, lr;
	s5 =	simm.s32 $0xFFFFFFFF;
	p2 =	slt.u32 s8, $0xFFFFF086  }
0x1c: {  	p1 =	slt.u32 s9, $0xF7A;
	s5 =	simm.s32 @!p2 $0x0  }
0x1d: {  	s5 =	simm.s32 @p1 $0x1;
	p0 =	seq.s32 s7, s2  }
0x1e: {  	s7 =	smul.u32 @!p0 $0xF7A, s2;
	p2 =	seq.s32 @!p0 s5, $0x0  }
0x1f: {  	s9 =	smul.u32 $0xF7A, s1;
	s8 =	simm.s32 @!p0 $0x1BF5;
	p2 =	por !p2, p0  }
0x20: {  	[sflag:s8] =	ssyncset.s32 @!p0 $0xFFFFF086;
	s6 =	sadd.s32 @!p0 s3, s7;
	s7 =	simm.s32 @!p0 $0x108  }
0x21: {  	s3 =	sadd.s32 s3, s9;
	s6 =	sadd.s32 @!p0 $0x88, s6;
	s7 =	simm.s32 @p2 $0x1082  }
0x22: {  	[simem:s7], [sflag:s8] =	dma.local @!p0 [hbm:s6], $0xF7A  }
0x23: {  	s9 =	sor.u32 $0xD0000000, s2;
	s6 =	simm.s32 $0x108;
	_ =	swait.ge @!p0 [sflag:s8], $0x0  }
0x24: {  	s3 =	sadd.s32 $0x88, s3;
	s6 =	simm.s32 @!p1 $0x1082;
	[sflag:s4] =	ssyncset.s32 $0xFFFFF086  }
0x25: {  	[simem:s6], [sflag:s4] =	dma.local [hbm:s3], $0xF7A  }
0x26: {  	[smem:$0x3F9D] =	sst s1;
	(tag) =	ssettag s2;
	_ =	strace s9  }
0x27: {  	s1 =	sld [smem:$0x3FAD]  }
0x28: {  	s2 =	sld [smem:$0x3FAE]  }
0x29: {  	s4 =	sld [smem:$0x3FB0]  }
0x2a: {  	p0 =	seq.s32 s5, $0x0;
	s5 =	sld [smem:$0x3FB1]  }
0x2b: {  	s6 =	sld [smem:$0x3FB2]  }
0x2c: {  	s7 =	sld [smem:$0x3FB3]  }
0x2d: {  	s3 =	simm.s32 $0x108;
	s8 =	sld [smem:$0x3FB4]  }
0x2e: {  	s3 =	simm.s32 @!p0 $0x1082;
	s9 =	sld [smem:$0x3FB5]  }
0x2f: {  	lr =	sadd.s32 s0, s3;
	s0 =	sld [smem:$0x3FAC]  }
0x30: {  	s3 =	sld [smem:$0x3FAF]  }
0x31: {  	[smem:$0x3FB8] =	sst s10  }
0x32: {  	s10 =	sld [smem:$0x3FB6];
	_ =	sdelay $0x3  }
0x33: {  	p0 =	seq.s32 s10, $0x1;
	s10 =	sld [smem:$0x3FB8];
	_ =	sdelay $0x3  }
0x34: {  	[smem:$0x3FB8] =	sst s10  }
0x35: {  	s10 =	sld [smem:$0x3FB7];
	_ =	sdelay $0x3  }
0x36: {  	p1 =	seq.s32 s10, $0x1;
	s10 =	sld [smem:$0x3FB8];
	_ =	sdelay $0x3  }
0x37: {  	[smem:$0x3FB8] =	sst s10  }
0x38: {  	s10 =	sld [smem:$0x3FB9]  }
0x39: {  	_ = 	snop;
	(pc) =	sbr.ind lr, $3  }
0x3a: {  	_ = 	snop  }
0x3b: {  	_ = 	snop  }
0x3c: {  	p2 =	seq.s32 s10, $0x1;
	s10 =	sld [smem:$0x3FB8]  }
0x3d: {  	_ =	shalt  }
0x3e: {  	_ =	shalt  }
0x3f: {  	_ =	shalt  }
0x40: {  	_ =	shalt  }
0x41: {  	_ =	shalt  }
0x42: {  	_ =	shalt  }
0x43: {  	_ =	shalt  }
0x44: {  	_ =	shalt  }
0x45: {  	_ =	shalt  }
0x46: {  	_ =	shalt  }
0x47: {  	_ =	shalt  }
0x48: {  	_ =	shalt  }
0x49: {  	_ =	shalt  }
0x4a: {  	_ =	shalt  }
0x4b: {  	_ =	shalt  }
0x4c: {  	_ =	shalt  }
0x4d: {  	_ =	shalt  }
0x4e: {  	_ =	shalt  }
0x4f: {  	_ =	shalt  }
0x50: {  	_ =	shalt  }
0x51: {  	_ =	shalt  }
0x52: {  	_ =	shalt  }
0x53: {  	_ =	shalt  }
0x54: {  	_ =	shalt  }
0x55: {  	_ =	shalt  }
0x56: {  	_ =	shalt  }
0x57: {  	_ =	shalt  }
0x58: {  	_ =	shalt  }
0x59: {  	_ =	shalt  }
0x5a: {  	_ =	shalt  }
0x5b: {  	_ =	shalt  }
0x5c: {  	_ =	shalt  }
0x5d: {  	_ =	shalt  }
0x5e: {  	_ =	shalt  }
0x5f: {  	_ =	shalt  }
0x60: {  	_ =	shalt  }
0x61: {  	_ =	shalt  }
0x62: {  	_ =	shalt  }
0x63: {  	_ =	shalt  }
0x64: {  	_ =	shalt  }
0x65: {  	_ =	shalt  }
0x66: {  	_ =	shalt  }
0x67: {  	_ =	shalt  }
0x68: {  	_ =	shalt  }
0x69: {  	_ =	shalt  }
0x6a: {  	_ =	shalt  }
0x6b: {  	_ =	shalt  }
0x6c: {  	_ =	shalt  }
0x6d: {  	_ =	shalt  }
0x6e: {  	_ =	shalt  }
0x6f: {  	_ =	shalt  }
0x70: {  	_ =	shalt  }
0x71: {  	_ =	shalt  }
0x72: {  	_ =	shalt  }
0x73: {  	_ =	shalt  }
0x74: {  	_ =	shalt  }
0x75: {  	_ =	shalt  }
0x76: {  	_ =	shalt  }
0x77: {  	_ =	shalt  }
0x78: {  	_ =	shalt  }
0x79: {  	_ =	shalt  }
0x7a: {  	_ =	shalt  }
0x7b: {  	_ =	shalt  }
0x7c: {  	_ =	shalt  }
0x7d: {  	_ =	shalt  }
0x7e: {  	_ =	shalt  }
0x7f: {  	_ =	shalt  }
0x80: {  	_ =	shalt  }
0x81: {  	_ =	shalt  }
0x82: {  	_ =	shalt  }
0x83: {  	_ =	shalt  }
0x84: {  	_ =	shalt  }
0x85: {  	_ =	shalt  }
0x86: {  	_ =	shalt  }
0x87: {  	_ =	shalt  }
.Lfunc_end0:
.L_simem_size_0:
called_computation_lowered:
.L_overlay_start_0:
0x88: {  	s2 =	sld [smem:$0x3FD9]  }
0x89: {  	s3 =	sld [smem:$0x3FFE];
	_ =	sdelay $0x1  }
0x8a: {  	s1 =	srdreg.scid  }
0x8b: {  	s0 =	sand.u32 $0x1, s1  }
0x8c: {  	s17 =	sshll.u32 s0, $0xA;
	s2 =	sadd.s32 s3, s2  }
0x8d: {  	s2 =	sadd.s32 s2, s17  }
0x8e: {  	[smem:$0x3FC4] =	sst s2  }
0x8f: {  	_ = 	snop  }
0x90: {  	s2 =	sld [smem:$0x3FD0];
	(tm) =	ssettm $0x1  }
0x91: {  	s18 =	sld [smem:$0x3FFB];
	_ =	sdelay $0x3  }
0x92: {  	_ =	strace s18  }
0x93: {  	s3 =	sld [smem:$0x3FFC];
	_ =	sdelay $0x3  }
0x94: {  	_ =	strace s3  }
0x95: {  	s3 =	sld [smem:$0x3FFD];
	_ =	sdelay $0x3  }
0x96: {  	_ =	strace s3  }
0x97: {  	_ =	strace $0x8FFFFFFF  }
0x98: {  	s19 =	sld [smem:$0x3FDB];
	_ =	sdelay $0x1  }
0x99: {  	s4 =	simm.s32 $_scs_section_size  }
0x9a: {  	s5 =	simm.s32 $_size__tile_overlayer_lowered;
	s6 =	simm.s32 $_tile_overlayer_lowered  }
0x9b: {  	s22 =	simm.s32 $0x1BFF;
	s21 =	sshll.u32 s6, $0x1;
	s3 =	sadd.s32 s4, s19  }
0x9c: {  	s7 =	simm.s32 $0x0;
	s20 =	sshll.u32 s5, $0x1;
	s5 =	sadd.s32 s21, s3  }
0x9d: {  	[timem:s7], [sflag:s22] =	dma.local [hbm:s5], s20  }
0x9e: {  	_ =	swait.ge [sflag:s22], s20  }
0x9f: {  	s4 =	ssub.s32 $0x0, s20;
	[sflag:s22] =	ssyncset.done $0x0  }
0xa0: {  	[sflag:s22] =	ssyncadd.s32 s4;
	_ =	sdelay $0x1  }
0xa1: {  	s23 =	simm.s32 $0x1B8B  }
0xa2: {  	_ =	swait.ge [sflag:s23], $0x1  }
0xa3: {  	[sflag:s23] =	ssyncset.done $0x0  }
0xa4: {  	s25 =	simm.s32 $0x1B8E;
	s24 =	sld [smem:$0x3FFE];
	[sflag:s23] =	ssyncadd.s32 $0xFFFFFFFF  }
0xa5: {  	s26 =	simm.s32 $execute0_lowered;
	[smem:$0x3FD2] =	sst s25  }
0xa6: {  	s5 =	sshll.u32 s26, $0x1;
	_ =	strace $0x80000046;
	[dreg:$0x1] =	wrdreg $0xFFFFFFFF  }
0xa7: {  	s28 =	simm.s32 $_size_execute0_lowered;
	s3 =	sadd.s32 s3, s5;
	[dreg:$0x0] =	wrdreg $0x0  }
0xa8: {  	s5 =	sshll.u32 s28, $0x1;
	[dreg:$0x2] =	wrdreg s3  }
0xa9: {  	[dreg:$0x3] =	wrdreg s5  }
0xaa: {  	[dreg:$0x4] =	wrdreg $0xC0  }
0xab: {  	_ =	task [dreg:s7], $0x5FFFF  }
0xac: {  	[dreg:$0x1] =	wrdreg $0xFFFFFFFF  }
0xad: {  	[dreg:$0x0] =	wrdreg $0x60  }
0xae: {  	[dreg:$0x2] =	wrdreg s24  }
0xaf: {  	[dreg:$0x3] =	wrdreg s2  }
0xb0: {  	[dreg:$0x4] =	wrdreg $0xDE800  }
0xb1: {  	[dreg:$0x5] =	wrdreg $0x9  }
0xb2: {  	_ =	task.clear_ibuf [dreg:s7], $0x6FFFF;
	_ =	strace $0x90000046  }
0xb3: {  	s29 =	simm.s32 $0x9;
	_ =	strace $0x80000048  }
0xb4: {  	_ =	swait.ge [sflag:s29], $0x1  }
0xb5: {  	[sflag:s29] =	ssyncadd.s32 $0xFFFFFFFF  }
0xb6: {  	_ =	strace $0x90000048  }
0xb7: {  	_ =	sfence  }
0xb8: {  	s30 =	sld [smem:$0x0];
	_ =	sdelay $0x2  }
0xb9: {  	s31 =	sshll.u32 s1, $0xD;
	s1 =	sshrl.u32 s1, $0x2  }
0xba: {  	s3 =	sand.u32 $0x4000, s31;
	s1 =	sadd.s32 s1, s30  }
0xbb: {  	s0 =	sor.u32 s3, s0;
	s1 =	sshll.u32 s1, $0x11  }
0xbc: {  	s0 =	sor.u32 s1, s0  }
0xbd: {  	s0 =	sadd.s32 $0x8F2B, s0  }
0xbe: {  	[sflag:s0] =	ssyncadd.remote.s32 $0x1  }
0xbf: {  	_ =	sfence.sel $0xFFFF  }
0xc0: {  	[dreg:$0x0] =	wrdreg $0xFFFFFFFF;
	(pc) =	sbr.abs _section_cstart, $3  }
0xc1: {  	[dreg:$0x1] =	wrdreg $0xFFFFFFFF  }
0xc2: {  	_ =	task.clear_ibuf [dreg:s7], $0x2FFFF;
	_ =	strace $0x9FFFFFFF  }
0xc3: {  	(tm) =	ssettm $0x7FFFFFFF  }
tec
execute0_lowered:
.L_overlay_start_1:
0x0: {  	(tag) =	ssettag $0x1  }
0x1: {  	s5 =	rddreg [dreg:$0x0]  }
0x2: {  	s6 =	rddreg [dreg:$0x1]  }
0x3: {  	s0 =	srdreg.scid;
	s2 =	rddreg [dreg:$0x2]  }
0x4: {  	s1 =	stileid.u32;
	s3 =	simm.s32 $0x0;
	s19 =	simm.s32 $0xBF40  }
0x5: {  	s20 =	simm.s32 $0x1;
	s21 =	simm.s32 $0x2;
	s22 =	simm.s32 $0x9F00  }
0x6: {  	s23 =	simm.s32 $0x9F80;
	s7 =	sand.u32 $0x1, s0;
	s0 =	rddreg [dreg:$0x3]  }
0x7: {  	s24 =	simm.s32 $0x0;
	s9 =	smul.u32 $0xA00, s1;
	[smem:$0x7FF] =	sst s3  }
0x8: {  	s11 =	smul.u32 $0x9E00, s1;
	s4 =	sadd.s32 $0x32600, s5;
	s14 =	sadd.s32 $0x5B200, s5  }
0x9: {  	s31 =	sshll.u32 s1, $0x6;
	s8 =	smul.u32 $0x9E000, s7;
	s7 =	ssub.s32 $0x2, s7  }
0xa: {  	_ =	strace $0x80000047;
	s13 =	sadd.s32 s9, s5;
	s30 =	sshrl.u32 s7, $0x1  }
0xb: {  	s18 =	sadd.s32 s11, s2;
	s6 =	sadd.s32 s6, s9;
	s10 =	sshrl.u32 s8, $0x3  }
0xc: {  	s8 =	sadd.s32 s11, s8;
	s17 =	ssub.s32 s7, s30;
	s7 =	sadd.s32 $0xE00, s13  }
0xd: {  	s13 =	sshrl.u32 s18, $0x3;
	s18 =	simm.s32 $0x80;
	s15 =	sshrl.u32 s8, $0x3  }
0xe: {  	s12 =	sadd.s32 s10, s5;
	s10 =	sadd.s32 s14, s10;
	s16 =	sadd.s32 s15, s5  }
0xf: {  	s5 =	sor.u32 $0x1C03, s31;
	s8 =	sadd.s32 $0xAE00, s12;
	s9 =	sadd.s32 s14, s15  }
0x10: {  	s12 =	smax.u32 s17, $0x1;
	s14 =	simm.s32 $0x3;
	s15 =	simm.s32 $0x5000  }
0x11: {  	s17 =	simm.s32 $0xA000;
	s11 =	sadd.s32 $0x33A00, s16;
	s16 =	simm.s32 $0x7D  }
.LBB2_1:
0x12: {  	[spmem:s13], [sflag:s5] =	dma.local [hbm:s4], $0x13C0  }
0x13: {  	_ =	swait.ge [sflag:s14], $0x13C0  }
0x14: {  	[sflag:s14] =	ssyncset.done $0x0  }
0x15: {  	[sflag:s14] =	ssyncadd.s32 $0xFFFFEC40  }
0x16: {  	[tilespmem:s3], [sflag:$0x3] =	stream.linear.gather [hbm4b:s6+s3], $0x5000, $0x38;
	[tilespmem:$0x17C80] =	vst v63  }
0x17: {  	_ =	swait.ge [sflag:s14], $0x5000  }
0x18: {  	[sflag:s14] =	ssyncset.done $0x0  }
0x19: {  	[sflag:s14] =	ssyncadd.s32 $0xFFFFB000  }
0x1a: {  	[tilespmem:s15], [sflag:$0x3] =	stream.linear.gather [hbm4b:s7+s3], $0x5000, $0x38;
	[tilespmem:$0x17C80] =	vst v63  }
0x1b: {  	_ =	swait.ge [sflag:s14], $0x5000  }
0x1c: {  	[sflag:s14] =	ssyncset.done $0x0  }
0x1d: {  	[sflag:s14] =	ssyncadd.s32 $0xFFFFB000  }
0x1e: {  	[bflag:$0x0] =	sbarrier.arrive $0xFFFF  }
0x1f: {  	[tilespmem:s17], [sflag:$0x1] =	stream.indirect.gather [hbm4b:s8+s16], $0x40, s3, s16, $0xb8;
	[tilespmem:$0x17C80] =	vst v63  }
0x20: {  	_ = 	snop  }
0x21: {  	[tilespmem:s19], [sflag:$0x2] =	stream.indirect.gather [hbm4b:s8+s16], $0x40, s18, s16, $0xb8;
	[tilespmem:$0x17C80] =	vst v63  }
0x22: {  	_ =	swait.ge [sflag:s20], $0x1F40  }
0x23: {  	[sflag:s20] =	ssyncset.done $0x0  }
0x24: {  	s25 =	simm.s32 $0x5000;
	[sflag:s20] =	ssyncadd.s32 $0xFFFFE0C0  }
0x25: {  	[spmem:s2] =	stream.indirect.scatter.add.f32 [tilespmem:s17], [sflag:$0x3], $0x40, s25, s16, $0xb8;
	[tilespmem:$0x17C80] =	vst v63  }
0x26: {  	_ =	swait.ge [sflag:s14], $0x1F40  }
0x27: {  	[sflag:s14] =	ssyncset.done $0x0  }
0x28: {  	s30 =	simm.s32 $0x100;
	[sflag:s14] =	ssyncadd.s32 $0xFFFFE0C0  }
0x29: {  	[tilespmem:s17], [sflag:$0x1] =	stream.indirect.gather [hbm4b:s8+s16], $0x40, s30, s16, $0xb8;
	[tilespmem:$0x17C80] =	vst v63  }
0x2a: {  	_ =	swait.ge [sflag:s21], $0x1F40  }
0x2b: {  	[sflag:s21] =	ssyncset.done $0x0  }
0x2c: {  	s31 =	simm.s32 $0x5080;
	[sflag:s21] =	ssyncadd.s32 $0xFFFFE0C0  }
0x2d: {  	[spmem:s2] =	stream.indirect.scatter.add.f32 [tilespmem:s19], [sflag:$0x3], $0x40, s31, s16, $0xb8;
	[tilespmem:$0x17C80] =	vst v63  }
0x2e: {  	_ =	swait.ge [sflag:s14], $0x1F40  }
0x2f: {  	[sflag:s14] =	ssyncset.done $0x0  }
0x30: {  	s26 =	simm.s32 $0x180;
	s25 =	simm.s32 $0x400;
	[sflag:s14] =	ssyncadd.s32 $0xFFFFE0C0  }
.LBB2_2:
0x31: {  	[tilespmem:s19], [sflag:$0x2] =	stream.indirect.gather [hbm4b:s8+s16], $0x40, s26, s16, $0xb8;
	[tilespmem:$0x17C80] =	vst v63  }
0x32: {  	s26 =	smov.u32 s25  }
0x33: {  	p0 =	sne.s32 s25, $0x13800;
	s25 =	sadd.s32 $0x400, s25;
	_ =	swait.ge [sflag:s20], $0x1F40  }
0x34: {  	s26 =	sshra.s32 s26, $0x2;
	[sflag:s20] =	ssyncset.done $0x0  }
0x35: {  	s28 =	sadd.s32 $0x5000, s26;
	[sflag:s20] =	ssyncadd.s32 $0xFFFFE0C0  }
0x36: {  	[spmem:s2] =	stream.indirect.scatter.add.f32 [tilespmem:s17], [sflag:$0x3], $0x40, s28, s16, $0xb8;
	[tilespmem:$0x17C80] =	vst v63  }
0x37: {  	_ =	swait.ge [sflag:s14], $0x1F40  }
0x38: {  	[sflag:s14] =	ssyncset.done $0x0  }
0x39: {  	s28 =	sadd.s32 $0x100, s26;
	[sflag:s14] =	ssyncadd.s32 $0xFFFFE0C0  }
0x3a: {  	[tilespmem:s17], [sflag:$0x1] =	stream.indirect.gather [hbm4b:s8+s16], $0x40, s28, s16, $0xb8;
	[tilespmem:$0x17C80] =	vst v63  }
0x3b: {  	_ =	swait.ge [sflag:s21], $0x1F40  }
0x3c: {  	[sflag:s21] =	ssyncset.done $0x0  }
.Ltmp0:
0x3d: {  	s28 =	sadd.s32 $0x5080, s26;
	[sflag:s21] =	ssyncadd.s32 $0xFFFFE0C0;
	(pc) =	sbr.rel @p0 .LBB2_2-.Ltmp0, $4  }
0x3e: {  	[spmem:s2] =	stream.indirect.scatter.add.f32 [tilespmem:s19], [sflag:$0x3], $0x40, s28, s16, $0xb8;
	[tilespmem:$0x17C80] =	vst v63  }
0x3f: {  	_ =	swait.ge [sflag:s14], $0x1F40  }
0x40: {  	[sflag:s14] =	ssyncset.done $0x0  }
0x41: {  	s26 =	sadd.s32 $0x180, s26;
	[sflag:s14] =	ssyncadd.s32 $0xFFFFE0C0  }
0x42: {  	[tilespmem:s19], [sflag:$0x2] =	stream.indirect.gather [hbm4b:s8+s16], $0x40, s26, s16, $0xb8;
	[tilespmem:$0x17C80] =	vst v63  }
0x43: {  	_ =	swait.ge [sflag:s20], $0x1F40  }
0x44: {  	[sflag:s20] =	ssyncset.done $0x0  }
0x45: {  	[sflag:s20] =	ssyncadd.s32 $0xFFFFE0C0  }
0x46: {  	[spmem:s2] =	stream.indirect.scatter.add.f32 [tilespmem:s17], [sflag:$0x3], $0x40, s22, s16, $0xb8;
	[tilespmem:$0x17C80] =	vst v63  }
0x47: {  	_ =	swait.ge [sflag:s14], $0x1F40  }
0x48: {  	[sflag:s14] =	ssyncset.done $0x0  }
0x49: {  	[sflag:s14] =	ssyncadd.s32 $0xFFFFE0C0  }
0x4a: {  	_ =	swait.ge [sflag:s21], $0x1F40  }
0x4b: {  	[sflag:s21] =	ssyncset.done $0x0  }
0x4c: {  	[sflag:s21] =	ssyncadd.s32 $0xFFFFE0C0  }
0x4d: {  	[spmem:s2] =	stream.indirect.scatter.add.f32 [tilespmem:s19], [sflag:$0x3], $0x40, s23, s16, $0xb8;
	[tilespmem:$0x17C80] =	vst v63  }
0x4e: {  	_ =	swait.ge [sflag:s14], $0x1F40  }
0x4f: {  	[sflag:s14] =	ssyncset.done $0x0  }
0x50: {  	[sflag:s14] =	ssyncadd.s32 $0xFFFFE0C0  }
0x51: {  	[bflag:$0x0] =	sbarrier.arrive $0xFFFF  }
0x52: {  	[hbm:s9], [sflag:s5] =	dma.local [spmem:s13], $0x13C0  }
0x53: {  	_ =	swait.ge [sflag:s14], $0x13C0  }
0x54: {  	[sflag:s14] =	ssyncset.done $0x0  }
0x55: {  	[sflag:s14] =	ssyncadd.s32 $0xFFFFEC40  }
0x56: {  	[bflag:$0x0] =	sbarrier.arrive $0xFFFF  }
0x57: {  	[spmem:s13], [sflag:s5] =	dma.local [hbm:s4], $0x13C0  }
0x58: {  	_ =	swait.ge [sflag:s14], $0x13C0  }
0x59: {  	[sflag:s14] =	ssyncset.done $0x0  }
0x5a: {  	[sflag:s14] =	ssyncadd.s32 $0xFFFFEC40  }
0x5b: {  	s25 =	simm.s32 $0x0;
	[bflag:$0x0] =	sbarrier.arrive $0xFFFF  }
0x5c: {  	[tilespmem:s17], [sflag:$0x1] =	stream.indirect.gather [hbm4b:s10+s16], $0x40, s25, s16, $0xb8;
	[tilespmem:$0x17C80] =	vst v63  }
0x5d: {  	_ = 	snop  }
0x5e: {  	[tilespmem:s19], [sflag:$0x2] =	stream.indirect.gather [hbm4b:s10+s16], $0x40, s18, s16, $0xb8;
	[tilespmem:$0x17C80] =	vst v63  }
0x5f: {  	_ =	swait.ge [sflag:s20], $0x1F40  }
0x60: {  	[sflag:s20] =	ssyncset.done $0x0  }
0x61: {  	s29 =	simm.s32 $0x5000;
	[sflag:s20] =	ssyncadd.s32 $0xFFFFE0C0  }
0x62: {  	[spmem:s2] =	stream.indirect.scatter.add.f32 [tilespmem:s17], [sflag:$0x3], $0x40, s29, s16, $0xb8;
	[tilespmem:$0x17C80] =	vst v63  }
0x63: {  	_ =	swait.ge [sflag:s14], $0x1F40  }
0x64: {  	[sflag:s14] =	ssyncset.done $0x0  }
0x65: {  	s30 =	simm.s32 $0x100;
	[sflag:s14] =	ssyncadd.s32 $0xFFFFE0C0  }
0x66: {  	[tilespmem:s17], [sflag:$0x1] =	stream.indirect.gather [hbm4b:s10+s16], $0x40, s30, s16, $0xb8;
	[tilespmem:$0x17C80] =	vst v63  }
0x67: {  	_ =	swait.ge [sflag:s21], $0x1F40  }
0x68: {  	[sflag:s21] =	ssyncset.done $0x0  }
0x69: {  	s31 =	simm.s32 $0x5080;
	[sflag:s21] =	ssyncadd.s32 $0xFFFFE0C0  }
0x6a: {  	[spmem:s2] =	stream.indirect.scatter.add.f32 [tilespmem:s19], [sflag:$0x3], $0x40, s31, s16, $0xb8;
	[tilespmem:$0x17C80] =	vst v63  }
0x6b: {  	_ =	swait.ge [sflag:s14], $0x1F40  }
0x6c: {  	[sflag:s14] =	ssyncset.done $0x0  }
0x6d: {  	s26 =	simm.s32 $0x180;
	s25 =	simm.s32 $0x400;
	[sflag:s14] =	ssyncadd.s32 $0xFFFFE0C0  }
.LBB2_4:
0x6e: {  	[tilespmem:s19], [sflag:$0x2] =	stream.indirect.gather [hbm4b:s10+s16], $0x40, s26, s16, $0xb8;
	[tilespmem:$0x17C80] =	vst v63  }
0x6f: {  	s26 =	smov.u32 s25  }
0x70: {  	p0 =	sne.s32 s25, $0x13800;
	s25 =	sadd.s32 $0x400, s25;
	_ =	swait.ge [sflag:s20], $0x1F40  }
0x71: {  	s26 =	sshra.s32 s26, $0x2;
	[sflag:s20] =	ssyncset.done $0x0  }
0x72: {  	s28 =	sadd.s32 $0x5000, s26;
	[sflag:s20] =	ssyncadd.s32 $0xFFFFE0C0  }
0x73: {  	[spmem:s2] =	stream.indirect.scatter.add.f32 [tilespmem:s17], [sflag:$0x3], $0x40, s28, s16, $0xb8;
	[tilespmem:$0x17C80] =	vst v63  }
0x74: {  	_ =	swait.ge [sflag:s14], $0x1F40  }
0x75: {  	[sflag:s14] =	ssyncset.done $0x0  }
0x76: {  	s28 =	sadd.s32 $0x100, s26;
	[sflag:s14] =	ssyncadd.s32 $0xFFFFE0C0  }
0x77: {  	[tilespmem:s17], [sflag:$0x1] =	stream.indirect.gather [hbm4b:s10+s16], $0x40, s28, s16, $0xb8;
	[tilespmem:$0x17C80] =	vst v63  }
0x78: {  	_ =	swait.ge [sflag:s21], $0x1F40  }
0x79: {  	[sflag:s21] =	ssyncset.done $0x0  }
.Ltmp1:
0x7a: {  	s28 =	sadd.s32 $0x5080, s26;
	[sflag:s21] =	ssyncadd.s32 $0xFFFFE0C0;
	(pc) =	sbr.rel @p0 .LBB2_4-.Ltmp1, $4  }
0x7b: {  	[spmem:s2] =	stream.indirect.scatter.add.f32 [tilespmem:s19], [sflag:$0x3], $0x40, s28, s16, $0xb8;
	[tilespmem:$0x17C80] =	vst v63  }
0x7c: {  	_ =	swait.ge [sflag:s14], $0x1F40  }
0x7d: {  	[sflag:s14] =	ssyncset.done $0x0  }
0x7e: {  	s26 =	sadd.s32 $0x180, s26;
	[sflag:s14] =	ssyncadd.s32 $0xFFFFE0C0  }
0x7f: {  	[tilespmem:s19], [sflag:$0x2] =	stream.indirect.gather [hbm4b:s10+s16], $0x40, s26, s16, $0xb8;
	[tilespmem:$0x17C80] =	vst v63  }
0x80: {  	_ =	swait.ge [sflag:s20], $0x1F40  }
0x81: {  	[sflag:s20] =	ssyncset.done $0x0  }
0x82: {  	[sflag:s20] =	ssyncadd.s32 $0xFFFFE0C0  }
0x83: {  	[spmem:s2] =	stream.indirect.scatter.add.f32 [tilespmem:s17], [sflag:$0x3], $0x40, s22, s16, $0xb8;
	[tilespmem:$0x17C80] =	vst v63  }
0x84: {  	_ =	swait.ge [sflag:s14], $0x1F40  }
0x85: {  	[sflag:s14] =	ssyncset.done $0x0  }
0x86: {  	[sflag:s14] =	ssyncadd.s32 $0xFFFFE0C0  }
0x87: {  	_ =	swait.ge [sflag:s21], $0x1F40  }
0x88: {  	[sflag:s21] =	ssyncset.done $0x0  }
0x89: {  	[sflag:s21] =	ssyncadd.s32 $0xFFFFE0C0  }
0x8a: {  	[spmem:s2] =	stream.indirect.scatter.add.f32 [tilespmem:s19], [sflag:$0x3], $0x40, s23, s16, $0xb8;
	[tilespmem:$0x17C80] =	vst v63  }
0x8b: {  	_ =	swait.ge [sflag:s14], $0x1F40  }
0x8c: {  	s24 =	sadd.s32 $0x1, s24;
	[sflag:s14] =	ssyncset.done $0x0  }
0x8d: {  	p0 =	sne.s32 s24, s12;
	[sflag:s14] =	ssyncadd.s32 $0xFFFFE0C0  }
.Ltmp2:
0x8e: {  	[bflag:$0x0] =	sbarrier.arrive $0xFFFF;
	(pc) =	sbr.rel @p0 .LBB2_1-.Ltmp2, $4  }
0x8f: {  	[hbm:s11], [sflag:s5] =	dma.local [spmem:s13], $0x13C0  }
0x90: {  	_ =	swait.ge [sflag:s14], $0x13C0  }
0x91: {  	[sflag:s14] =	ssyncset.done $0x0  }
0x92: {  	[sflag:s14] =	ssyncadd.s32 $0xFFFFEC40  }
0x93: {  	_ =	sfence.sel $0x180000  }
0x94: {  	[bflag:$0x0] =	sbarrier.arrive $0xFFFF  }
0x95: {  	p0 =	sne.s32 s1, $0x0;
	_ =	strace $0x90000047  }
0x96: {  	s0 =	sadd.s32 @!p0 $0x100000, s0;
	[bflag:$0x2] =	sbarrier.arrive $0xFFFF  }
0x97: {  	[sflag:s0] =	ssyncadd.tile.s32 @!p0 $0x1;
	_ =	shalt  }
.Lfunc_end2:
_tile_overlayer_lowered:
.L_overlay_start_2:
0x98: {  	(tag) =	ssettag $0x2  }
0x99: {  	s0 =	rddreg [dreg:$0x0];
	s2 =	stileid.u32  }
0x9a: {  	s1 =	rddreg [dreg:$0x1];
	p0 =	sne.s32 s2, $0x0  }
0x9b: {  	s3 =	rddreg [dreg:$0x2];
	[bflag:$0x3] =	sbarrier.arrive $0xFFFF;
	s2 =	simm.s32 @!p0 $0x1C03  }
0x9c: {  	[timem:s3], [sflag:s2] =	dma.local @!p0 [hbm:s0], s1  }
0x9d: {  	s0 =	simm.s32 @!p0 $0x3  }
0x9e: {  	_ =	swait.ge @!p0 [sflag:s0], s1  }
0x9f: {  	s1 =	ssub.s32 @!p0 $0x0, s1;
	[sflag:s0] =	ssyncset.done @!p0 $0x0  }
0xa0: {  	[sflag:s0] =	ssyncadd.s32 @!p0 s1  }
0xa1: {  	[bflag:$0x3] =	sbarrier.arrive $0xFFFF  }
0xa2: {  	_ =	shalt  }

</sc_bundles>
